<compile_context>
chip_gen: v7x
topology: tpu7x:2x2x1
jax: 0.10.2.dev20260603
libtpu: 0.0.44.dev20260713+nightly
codegen_flags: <defaults>
</compile_context>

<pallas_src>
import functools
import math

import jax
import jax.numpy as jnp
from jax import lax
from jax.experimental import pallas as pl
from jax.experimental.pallas import tpu as pltpu
from jax.experimental.pallas import tpu_sc as plsc

N = 10000
E = 320000
D = 128
NC = 2
NS = 16
NW = NC * NS
EPW = E // NW
B = 80
NCHUNK = EPW // B
NPAD = 10112
TPR = NPAD // NS


_MESH = plsc.VectorSubcoreMesh(core_axis_name="c", subcore_axis_name="s")


def _sc_segment_sums(src, dst, x, h0, h0sq, h0cub, zrow, ones):

    @functools.partial(
        pl.kernel,
        mesh=_MESH,
        out_type=jax.ShapeDtypeStruct((5, NC, NPAD, D), jnp.float32),
        scratch_types=[
            pltpu.VMEM((NCHUNK, B), jnp.int32),
            pltpu.VMEM((B,), jnp.int32),
            pltpu.VMEM((B,), jnp.int32),
            pltpu.VMEM((B,), jnp.int32),
            pltpu.VMEM((B, D), jnp.float32),
            pltpu.VMEM((B, D), jnp.float32),
            pltpu.VMEM((B, D), jnp.float32),
            pltpu.VMEM_SHARED((NPAD, D), jnp.float32),
        ] + [pltpu.SemaphoreType.DMA] * 9,
    )
    def k(src_h, dst_h, x_h, h0_h, h0sq_h, h0cub_h, zrow_h, ones_h,
          acc_out, src_v, dst0_v, dst1_v, dst2_v, rows0_v, rows1_v,
          rows2_v, acc_sh, gsem0, gsem1, gsem2, ssem0, ssem1, ssem2,
          dsem0, dsem1, dsem2):
        core = lax.axis_index("c")
        tile = lax.axis_index("s")
        wid = core * NS + tile
        rbase = pl.multiple_of(tile * TPR, 8)

        pltpu.sync_copy(src_h.at[wid], src_v)

        rows = (rows0_v, rows1_v, rows2_v)
        dsts = (dst0_v, dst1_v, dst2_v)
        gsems = (gsem0, gsem1, gsem2)
        ssems = (ssem0, ssem1, ssem2)
        dsems = (dsem0, dsem1, dsem2)

        for p, tab in enumerate((x_h, h0_h, h0sq_h, h0cub_h, None)):
            pltpu.sync_copy(zrow_h, acc_sh.at[pl.ds(rbase, TPR)])
            if tab is None:
                pltpu.sync_copy(ones_h, rows2_v)
                pltpu.sync_copy(dst_h.at[wid], src_v)
            plsc.subcore_barrier()

            if tab is None:
                @pl.loop(0, NCHUNK + 1, step=2)
                def _chunk_deg(i):
                    for b in (0, 1):
                        c = i + b
                        cc = jnp.minimum(c, NCHUNK - 1)

                        @pl.when(c < NCHUNK)
                        def _():
                            @pl.when(c >= 2)
                            def _():
                                pltpu.make_async_copy(
                                    rows2_v, acc_sh.at[src_v.at[cc]],
                                    ssems[b]).wait()

                            pltpu.async_copy(rows2_v,
                                             acc_sh.at[src_v.at[cc]],
                                             ssems[b], add=True)

                pltpu.make_async_copy(rows2_v, acc_sh.at[src_v.at[0]],
                                      ssem0).wait()
                pltpu.make_async_copy(rows2_v, acc_sh.at[src_v.at[0]],
                                      ssem1).wait()
            else:
                pltpu.async_copy(dst_h.at[wid, 0], dst0_v, dsem0)
                pltpu.async_copy(dst_h.at[wid, 1], dst1_v, dsem1)
                pltpu.async_copy(tab.at[src_v.at[0]], rows0_v, gsem0)
                pltpu.async_copy(tab.at[src_v.at[1]], rows1_v, gsem1)

                @pl.loop(0, NCHUNK + 1, step=3)
                def _chunk(i):
                    for b in (0, 1, 2):
                        c = i + b
                        bp = (b - 1) % 3
                        cc = jnp.minimum(c, NCHUNK - 1)
                        c2 = jnp.minimum(c + 2, NCHUNK - 1)

                        @pl.when(c < NCHUNK)
                        def _():
                            pltpu.make_async_copy(dst_h.at[wid, cc],
                                                  dsts[b], dsems[b]).wait()
                            pltpu.make_async_copy(tab.at[src_v.at[cc]],
                                                  rows[b], gsems[b]).wait()
                            pltpu.async_copy(rows[b], acc_sh.at[dsts[b]],
                                             ssems[b], add=True)

                            @pl.when(c >= 1)
                            def _():
                                pltpu.make_async_copy(
                                    rows[bp], acc_sh.at[dsts[bp]],
                                    ssems[bp]).wait()

                            @pl.when(c + 2 < NCHUNK)
                            def _():
                                pltpu.async_copy(dst_h.at[wid, c2],
                                                 dsts[bp], dsems[bp])
                                pltpu.async_copy(tab.at[src_v.at[c2]],
                                                 rows[bp], gsems[bp])

                fb = (NCHUNK - 1) % 3
                pltpu.make_async_copy(rows[fb], acc_sh.at[dsts[fb]],
                                      ssems[fb]).wait()

            plsc.subcore_barrier()
            pltpu.sync_copy(acc_sh.at[pl.ds(rbase, TPR)],
                            acc_out.at[p, core, pl.ds(rbase, TPR)])

    return k(src, dst, x, h0, h0sq, h0cub, zrow, ones)


def _powers_body(h0_ref, sq_ref, cub_ref):
    h = h0_ref[...]
    s = h * h
    sq_ref[...] = s
    cub_ref[...] = s * h


def _epilogue_body(scal_ref, acc_ref, h0_ref, W_ref, Watt_ref, out_ref):
    theta = scal_ref[0]
    alpha = scal_ref[1]
    beta = 0.1

    deg = acc_ref[4, 0, :, :1] + acc_ref[4, 1, :, :1]
    invd = 1.0 / jnp.maximum(deg, 1.0)

    hx = (acc_ref[0, 0] + acc_ref[0, 1]) * invd
    hm = (acc_ref[1, 0] + acc_ref[1, 1]) * invd
    hs = (acc_ref[2, 0] + acc_ref[2, 1]) * invd
    hg = (acc_ref[3, 0] + acc_ref[3, 1]) * invd

    h_agg = (1.0 - alpha) * hx + alpha * h0_ref[...]
    hW = jnp.dot(h_agg, W_ref[...], preferred_element_type=jnp.float32)
    h_i = theta * hW + (1.0 - theta) * h_agg

    mu = hm
    s = jnp.where(hs == 0.0, 1e-16, hs)
    sigma = jnp.sqrt(s)
    g = jnp.where(hg == 0.0, 1e-16, hg)
    neg = g < 0.0
    ga = jnp.abs(g)
    gr = jnp.exp(jnp.log(ga) * (1.0 / 3.0))
    gamma = jnp.where(neg, -gr, gr)

    Wk = Watt_ref[:D, :]
    Wq = Watt_ref[D:, :]
    q = jnp.dot(h_i, Wq, preferred_element_type=jnp.float32)

    def elu(v):
        return jnp.where(v > 0.0, v, jnp.exp(jnp.minimum(v, 0.0)) - 1.0)

    e0 = elu(jnp.dot(mu, Wk, preferred_element_type=jnp.float32) + q)
    e1 = elu(jnp.dot(sigma, Wk, preferred_element_type=jnp.float32) + q)
    e2 = elu(jnp.dot(gamma, Wk, preferred_element_type=jnp.float32) + q)

    m = jnp.maximum(jnp.maximum(e0, e1), e2)
    a0 = jnp.exp(e0 - m)
    a1 = jnp.exp(e1 - m)
    a2 = jnp.exp(e2 - m)
    h_moment = (a0 * mu + a1 * sigma + a2 * gamma) / (a0 + a1 + a2)

    out_ref[...] = (1.0 - beta) * h_i + beta * h_moment


def kernel(input, edge_index, h0, W, W_att, lamda, alpha, l):
    x = input
    src = edge_index[0].reshape(NW, NCHUNK, B)
    dst = edge_index[1].reshape(NW, NCHUNK, B)

    theta = jnp.log(lamda / l + 1.0)
    scalars = jnp.stack([jnp.float32(theta), jnp.float32(alpha)])

    Bn = 1000
    grid = N // Bn

    h0sq, h0cub = pl.pallas_call(
        _powers_body,
        grid=(grid,),
        in_specs=[pl.BlockSpec((Bn, D), lambda i: (i, 0))],
        out_specs=[pl.BlockSpec((Bn, D), lambda i: (i, 0))] * 2,
        out_shape=[jax.ShapeDtypeStruct((N, D), jnp.float32)] * 2,
    )(h0)

    zrow = jnp.zeros((TPR, D), jnp.float32)
    ones = jnp.ones((B, D), jnp.float32)

    acc = _sc_segment_sums(src, dst, x, h0, h0sq, h0cub, zrow, ones)

    out = pl.pallas_call(
        _epilogue_body,
        grid=(grid,),
        in_specs=[
            pl.BlockSpec(memory_space=pltpu.MemorySpace.SMEM),
            pl.BlockSpec((5, NC, Bn, D), lambda i: (0, 0, i, 0)),
            pl.BlockSpec((Bn, D), lambda i: (i, 0)),
            pl.BlockSpec((D, D), lambda i: (0, 0)),
            pl.BlockSpec((2 * D, D), lambda i: (0, 0)),
        ],
        out_specs=pl.BlockSpec((Bn, D), lambda i: (i, 0)),
        out_shape=jax.ShapeDtypeStruct((N, D), jnp.float32),
    )(scalars, acc, h0, W, W_att)

    return out

# --- scband reference (transcript-rebuilt; emitter-appended) ---
"""Pipeline reference for scband-mmconv-7026566496850 (READ-ONLY COPY).

The authoritative reference and input builder live on the scoring server;
editing this copy changes nothing except your own understanding.
"""

import jax, jax.numpy as jnp
import numpy as np
import math

N = 10000
E = 320000
D = 128
MOMENT = 3


def setup_inputs(seed: int = 0) -> dict:
    key = jax.random.key(seed)
    k1, k2, k3, k4, k5 = jax.random.split(key, 5)
    x = jax.random.normal(k1, (N, D), dtype=jnp.float32)
    h0 = jax.random.normal(k2, (N, D), dtype=jnp.float32)
    edge_index = jax.random.randint(k3, (2, E), 0, N, dtype=jnp.int32)
    stdv = 1.0 / math.sqrt(D)
    W = jax.random.uniform(k4, (D, D), minval=-stdv, maxval=stdv, dtype=jnp.float32)
    W_att = jax.random.uniform(k5, (2 * D, D), minval=-stdv, maxval=stdv, dtype=jnp.float32)
    return {"input": x, "edge_index": edge_index, "h0": h0, "W": W, "W_att": W_att, "lamda": 1, "alpha": 0, "l": 1}


def _spmm(edge_index, x):
    # row-normalized (mean) sparse adjacency matmul: adj @ x
    src = edge_index[0]
    dst = edge_index[1]
    agg = jax.ops.segment_sum(x[src], dst, num_segments=N)
    deg = jax.ops.segment_sum(jnp.ones((edge_index.shape[1],), dtype=x.dtype), dst, num_segments=N)
    return agg / jnp.clip(deg, 1.0, None)[:, None]


def reference(input, edge_index, h0, W, W_att, lamda, alpha, l):
    beta = 0.1
    theta = jnp.log(lamda / l + 1)
    h_agg = _spmm(edge_index, input)
    h_agg = (1 - alpha) * h_agg + alpha * h0
    h_i = h_agg @ W
    h_i = theta * h_i + (1 - theta) * h_agg
    # moment calculation on h0
    mu = _spmm(edge_index, h0)
    sigma = _spmm(edge_index, h0 ** 2)
    sigma = jnp.where(sigma == 0, 1e-16, sigma)
    sigma = jnp.sqrt(sigma)
    gamma = _spmm(edge_index, h0 ** 3)
    gamma = jnp.where(gamma == 0, 1e-16, gamma)
    mask_neg = gamma < 0
    gamma_abs = jnp.where(mask_neg, -gamma, gamma)
    gamma_r = gamma_abs ** (1.0 / 3.0)
    gamma = jnp.where(mask_neg, -gamma_r, gamma_r)
    k_list = [mu, sigma, gamma]
    # attention layer (eval mode: dropout is a no-op)
    q = jnp.tile(h_i, (MOMENT, 1))
    attn_input = jnp.concatenate([jnp.concatenate(k_list, axis=0), q], axis=1)
    e = jax.nn.elu(attn_input @ W_att)
    attention = jax.nn.softmax(jnp.transpose(e.reshape(MOMENT, N, D), (1, 0, 2)), axis=1)
    h_moment = (jnp.stack(k_list, axis=1) * attention).sum(axis=1)
    output = (1 - beta) * h_i + beta * h_moment
    return output

if __name__ == "__main__":
    import jax
    _d = setup_inputs()
    print(jax.jit(kernel)(*tuple(_d.values())))

</pallas_src>

<mosaic_0001>
#map = affine_map<(d0, d1) -> (0, 0, 0)>
#map1 = affine_map<(d0, d1) -> (0, 0)>
#map2 = affine_map<(d0, d1) -> (0, 0, 0, 0)>
module attributes {stable_mosaic.version = 14 : i64} {
  func.func @k(%arg0: i32, %arg1: i32, %arg2: memref<32x125x80xi32, #tpu.memory_space<hbm>>, %arg3: memref<32x125x80xi32, #tpu.memory_space<hbm>>, %arg4: memref<10000x128xf32, #tpu.memory_space<hbm>>, %arg5: memref<10000x128xf32, #tpu.memory_space<hbm>>, %arg6: memref<10000x128xf32, #tpu.memory_space<hbm>>, %arg7: memref<10000x128xf32, #tpu.memory_space<hbm>>, %arg8: memref<632x128xf32, #tpu.memory_space<hbm>>, %arg9: memref<80x128xf32, #tpu.memory_space<hbm>>, %arg10: memref<5x2x10112x128xf32, #tpu.memory_space<hbm>>, %arg11: memref<125x80xi32, #tpu.memory_space<vmem>>, %arg12: memref<80xi32, #tpu.memory_space<vmem>>, %arg13: memref<80xi32, #tpu.memory_space<vmem>>, %arg14: memref<80xi32, #tpu.memory_space<vmem>>, %arg15: memref<80x128xf32, #tpu.memory_space<vmem>>, %arg16: memref<80x128xf32, #tpu.memory_space<vmem>>, %arg17: memref<80x128xf32, #tpu.memory_space<vmem>>, %arg18: memref<10112x128xf32, #tpu.memory_space<vmem_shared>>, %arg19: memref<!tpu.dma_semaphore, #tpu.memory_space<semaphore_mem>>, %arg20: memref<!tpu.dma_semaphore, #tpu.memory_space<semaphore_mem>>, %arg21: memref<!tpu.dma_semaphore, #tpu.memory_space<semaphore_mem>>, %arg22: memref<!tpu.dma_semaphore, #tpu.memory_space<semaphore_mem>>, %arg23: memref<!tpu.dma_semaphore, #tpu.memory_space<semaphore_mem>>, %arg24: memref<!tpu.dma_semaphore, #tpu.memory_space<semaphore_mem>>, %arg25: memref<!tpu.dma_semaphore, #tpu.memory_space<semaphore_mem>>, %arg26: memref<!tpu.dma_semaphore, #tpu.memory_space<semaphore_mem>>, %arg27: memref<!tpu.dma_semaphore, #tpu.memory_space<semaphore_mem>>) attributes {dimension_semantics = [#tpu.dimension_semantics<core_parallel>, #tpu.dimension_semantics<subcore_parallel>], iteration_bounds = array<i64: 2, 16>, scalar_prefetch = 0 : i64, scratch_operands = 17 : i64, tpu.core_type = #tpu.core_type<sc_vector_subcore>, window_params = [{transform_indices = #map}, {transform_indices = #map}, {transform_indices = #map1}, {transform_indices = #map1}, {transform_indices = #map1}, {transform_indices = #map1}, {transform_indices = #map1}, {transform_indices = #map1}, {transform_indices = #map2}]} {
    %mul3A = arith.constant 16 : i32
    %mul3A_0 = arith.muli %arg0, %mul3A : i32
    %add3A = arith.addi %mul3A_0, %arg1 : i32
    %mul3A_1 = arith.constant 632 : i32
    %mul3A_2 = arith.muli %arg1, %mul3A_1 : i32
    %multiple_of3A = tpu.assume_multiple %mul3A_2, 8 : i32
    "tpu.region"() ({
      %run_scoped3A_176 = tpu.sem_alloc : memref<!tpu.dma_semaphore, #tpu.memory_space<semaphore_mem>>
      %dma_start3A_177 = arith.constant 0 : i32
      %dma_start3A_178 = arith.constant 0 : i32
      %dma_start3A_179 = tpu.memref_slice %arg2[%add3A, %dma_start3A_177, %dma_start3A_178] : memref<32x125x80xi32, #tpu.memory_space<hbm>> -> memref<1x125x80xi32, #tpu.memory_space<hbm>>
      %dma_start3A_180 = tpu.memref_squeeze %dma_start3A_179 : memref<1x125x80xi32, #tpu.memory_space<hbm>> -> memref<125x80xi32, #tpu.memory_space<hbm>>
      %dma_start3A_181 = arith.constant 0 : i32
      %dma_start3A_182 = arith.constant 0 : i32
      %dma_start3A_183 = tpu.memref_slice %arg2[%add3A, %dma_start3A_181, %dma_start3A_182] : memref<32x125x80xi32, #tpu.memory_space<hbm>> -> memref<1x125x80xi32, #tpu.memory_space<hbm>>
      %dma_start3A_184 = tpu.memref_squeeze %dma_start3A_183 : memref<1x125x80xi32, #tpu.memory_space<hbm>> -> memref<125x80xi32, #tpu.memory_space<hbm>>
      tpu.enqueue_dma source(%dma_start3A_184 : memref<125x80xi32, #tpu.memory_space<hbm>>) target(%arg11 : memref<125x80xi32, #tpu.memory_space<vmem>>) target_semaphore(%run_scoped3A_176 : memref<!tpu.dma_semaphore, #tpu.memory_space<semaphore_mem>>)
      %dma_wait3A_185 = arith.constant 0 : i32
      %dma_wait3A_186 = arith.constant 0 : i32
      %dma_wait3A_187 = tpu.memref_slice %arg2[%add3A, %dma_wait3A_185, %dma_wait3A_186] : memref<32x125x80xi32, #tpu.memory_space<hbm>> -> memref<1x125x80xi32, #tpu.memory_space<hbm>>
      %dma_wait3A_188 = tpu.memref_squeeze %dma_wait3A_187 : memref<1x125x80xi32, #tpu.memory_space<hbm>> -> memref<125x80xi32, #tpu.memory_space<hbm>>
      %dma_wait3A_189 = arith.constant 0 : i32
      %dma_wait3A_190 = arith.constant 0 : i32
      %dma_wait3A_191 = tpu.memref_slice %arg2[%add3A, %dma_wait3A_189, %dma_wait3A_190] : memref<32x125x80xi32, #tpu.memory_space<hbm>> -> memref<1x125x80xi32, #tpu.memory_space<hbm>>
      %dma_wait3A_192 = tpu.memref_squeeze %dma_wait3A_191 : memref<1x125x80xi32, #tpu.memory_space<hbm>> -> memref<125x80xi32, #tpu.memory_space<hbm>>
      tpu.wait_dma2 semaphore(%run_scoped3A_176 : memref<!tpu.dma_semaphore, #tpu.memory_space<semaphore_mem>>) src(%dma_wait3A_192 : memref<125x80xi32, #tpu.memory_space<hbm>>) dst(%arg11 : memref<125x80xi32, #tpu.memory_space<vmem>>)
      tpu.yield
    }) : () -> ()
    "tpu.region"() ({
      %run_scoped3A_176 = tpu.sem_alloc : memref<!tpu.dma_semaphore, #tpu.memory_space<semaphore_mem>>
      %dma_start3A_177 = arith.constant 0 : i32
      %dma_start3A_178 = tpu.memref_slice %arg18[%multiple_of3A, %dma_start3A_177] : memref<10112x128xf32, #tpu.memory_space<vmem_shared>> -> memref<632x128xf32, #tpu.memory_space<vmem_shared>>
      tpu.enqueue_dma source(%arg8 : memref<632x128xf32, #tpu.memory_space<hbm>>) target(%dma_start3A_178 : memref<632x128xf32, #tpu.memory_space<vmem_shared>>) target_semaphore(%run_scoped3A_176 : memref<!tpu.dma_semaphore, #tpu.memory_space<semaphore_mem>>)
      %dma_wait3A_179 = arith.constant 0 : i32
      %dma_wait3A_180 = tpu.memref_slice %arg18[%multiple_of3A, %dma_wait3A_179] : memref<10112x128xf32, #tpu.memory_space<vmem_shared>> -> memref<632x128xf32, #tpu.memory_space<vmem_shared>>
      tpu.wait_dma2 semaphore(%run_scoped3A_176 : memref<!tpu.dma_semaphore, #tpu.memory_space<semaphore_mem>>) src(%arg8 : memref<632x128xf32, #tpu.memory_space<hbm>>) dst(%dma_wait3A_180 : memref<632x128xf32, #tpu.memory_space<vmem_shared>>)
      tpu.yield
    }) : () -> ()
    %barrier3A = arith.constant 0 : index
    tpu.barrier barrier_id(%barrier3A)
    %dma_start3A = arith.constant 0 : i32
    %dma_start3A_3 = arith.constant 0 : i32
    %dma_start3A_4 = tpu.memref_slice %arg3[%add3A, %dma_start3A, %dma_start3A_3] : memref<32x125x80xi32, #tpu.memory_space<hbm>> -> memref<1x1x80xi32, #tpu.memory_space<hbm>>
    %dma_start3A_5 = tpu.memref_squeeze %dma_start3A_4 : memref<1x1x80xi32, #tpu.memory_space<hbm>> -> memref<80xi32, #tpu.memory_space<hbm>>
    %dma_start3A_6 = arith.constant 0 : i32
    %dma_start3A_7 = tpu.memref_slice %arg3[%add3A, %dma_start3A, %dma_start3A_6] : memref<32x125x80xi32, #tpu.memory_space<hbm>> -> memref<1x1x80xi32, #tpu.memory_space<hbm>>
    %dma_start3A_8 = tpu.memref_squeeze %dma_start3A_7 : memref<1x1x80xi32, #tpu.memory_space<hbm>> -> memref<80xi32, #tpu.memory_space<hbm>>
    tpu.enqueue_dma source(%dma_start3A_8 : memref<80xi32, #tpu.memory_space<hbm>>) target(%arg12 : memref<80xi32, #tpu.memory_space<vmem>>) target_semaphore(%arg25 : memref<!tpu.dma_semaphore, #tpu.memory_space<semaphore_mem>>)
    %dma_start3A_9 = arith.constant 1 : i32
    %dma_start3A_10 = arith.constant 0 : i32
    %dma_start3A_11 = tpu.memref_slice %arg3[%add3A, %dma_start3A_9, %dma_start3A_10] : memref<32x125x80xi32, #tpu.memory_space<hbm>> -> memref<1x1x80xi32, #tpu.memory_space<hbm>>
    %dma_start3A_12 = tpu.memref_squeeze %dma_start3A_11 : memref<1x1x80xi32, #tpu.memory_space<hbm>> -> memref<80xi32, #tpu.memory_space<hbm>>
    %dma_start3A_13 = arith.constant 0 : i32
    %dma_start3A_14 = tpu.memref_slice %arg3[%add3A, %dma_start3A_9, %dma_start3A_13] : memref<32x125x80xi32, #tpu.memory_space<hbm>> -> memref<1x1x80xi32, #tpu.memory_space<hbm>>
    %dma_start3A_15 = tpu.memref_squeeze %dma_start3A_14 : memref<1x1x80xi32, #tpu.memory_space<hbm>> -> memref<80xi32, #tpu.memory_space<hbm>>
    tpu.enqueue_dma source(%dma_start3A_15 : memref<80xi32, #tpu.memory_space<hbm>>) target(%arg13 : memref<80xi32, #tpu.memory_space<vmem>>) target_semaphore(%arg26 : memref<!tpu.dma_semaphore, #tpu.memory_space<semaphore_mem>>)
    %dma_start3A_16 = arith.constant 0 : i32
    %dma_start3A_17 = arith.constant 0 : i32
    %dma_start3A_18 = tpu.memref_slice %arg11[%dma_start3A_16, %dma_start3A_17] : memref<125x80xi32, #tpu.memory_space<vmem>> -> memref<1x80xi32, #tpu.memory_space<vmem>>
    %dma_start3A_19 = tpu.memref_squeeze %dma_start3A_18 : memref<1x80xi32, #tpu.memory_space<vmem>> -> memref<80xi32, #tpu.memory_space<vmem>>
    %dma_start3A_20 = arith.constant 0 : i32
    %dma_start3A_21 = arith.constant 0 : i32
    %dma_start3A_22 = tpu.memref_slice %arg4[%dma_start3A_20, %dma_start3A_21] : memref<10000x128xf32, #tpu.memory_space<hbm>> -> memref<10000x128xf32, #tpu.memory_space<hbm>>
    tpu.enqueue_indirect_dma source(%dma_start3A_22 : memref<10000x128xf32, #tpu.memory_space<hbm>>) target(%arg15 : memref<80x128xf32, #tpu.memory_space<vmem>>) offsets(%dma_start3A_19 : memref<80xi32, #tpu.memory_space<vmem>>) semaphore(%arg19 : memref<!tpu.dma_semaphore, #tpu.memory_space<semaphore_mem>>)
    %dma_start3A_23 = arith.constant 1 : i32
    %dma_start3A_24 = arith.constant 0 : i32
    %dma_start3A_25 = tpu.memref_slice %arg11[%dma_start3A_23, %dma_start3A_24] : memref<125x80xi32, #tpu.memory_space<vmem>> -> memref<1x80xi32, #tpu.memory_space<vmem>>
    %dma_start3A_26 = tpu.memref_squeeze %dma_start3A_25 : memref<1x80xi32, #tpu.memory_space<vmem>> -> memref<80xi32, #tpu.memory_space<vmem>>
    %dma_start3A_27 = arith.constant 0 : i32
    %dma_start3A_28 = arith.constant 0 : i32
    %dma_start3A_29 = tpu.memref_slice %arg4[%dma_start3A_27, %dma_start3A_28] : memref<10000x128xf32, #tpu.memory_space<hbm>> -> memref<10000x128xf32, #tpu.memory_space<hbm>>
    tpu.enqueue_indirect_dma source(%dma_start3A_29 : memref<10000x128xf32, #tpu.memory_space<hbm>>) target(%arg16 : memref<80x128xf32, #tpu.memory_space<vmem>>) offsets(%dma_start3A_26 : memref<80xi32, #tpu.memory_space<vmem>>) semaphore(%arg20 : memref<!tpu.dma_semaphore, #tpu.memory_space<semaphore_mem>>)
    %scan3A = arith.constant 0 : i32
    %scan3A_30 = arith.constant 42 : i32
    %scan3A_31 = arith.addi %scan3A, %scan3A_30 : i32
    %scan3A_32 = arith.constant 1 : i32
    scf.for %scan3A_176 = %scan3A to %scan3A_31 step %scan3A_32  : i32 {
      %mul3A_177 = arith.constant 3 : i32
      %mul3A_178 = arith.muli %scan3A_176, %mul3A_177 : i32
      %add3A_179 = arith.constant 0 : i32
      %add3A_180 = arith.addi %add3A_179, %mul3A_178 : i32
      %add3A_181 = arith.constant 0 : i32
      %add3A_182 = arith.addi %add3A_180, %add3A_181 : i32
      %min3A = arith.constant 124 : i32
      %min3A_183 = arith.minsi %add3A_182, %min3A : i32
      %add3A_184 = arith.constant 2 : i32
      %add3A_185 = arith.addi %add3A_182, %add3A_184 : i32
      %min3A_186 = arith.constant 124 : i32
      %min3A_187 = arith.minsi %add3A_185, %min3A_186 : i32
      %lt3A = arith.constant 125 : i32
      %lt3A_188 = arith.cmpi slt, %add3A_182, %lt3A : i32
      %convert_element_type3A = arith.extui %lt3A_188 : i1 to i32
      %cond3A = arith.constant 0 : i32
      %cond3A_189 = arith.cmpi ne, %convert_element_type3A, %cond3A : i32
      scf.if %cond3A_189 {
        %dma_wait3A_216 = arith.constant 0 : i32
        %dma_wait3A_217 = tpu.memref_slice %arg3[%add3A, %min3A_183, %dma_wait3A_216] : memref<32x125x80xi32, #tpu.memory_space<hbm>> -> memref<1x1x80xi32, #tpu.memory_space<hbm>>
        %dma_wait3A_218 = tpu.memref_squeeze %dma_wait3A_217 : memref<1x1x80xi32, #tpu.memory_space<hbm>> -> memref<80xi32, #tpu.memory_space<hbm>>
        %dma_wait3A_219 = arith.constant 0 : i32
        %dma_wait3A_220 = tpu.memref_slice %arg3[%add3A, %min3A_183, %dma_wait3A_219] : memref<32x125x80xi32, #tpu.memory_space<hbm>> -> memref<1x1x80xi32, #tpu.memory_space<hbm>>
        %dma_wait3A_221 = tpu.memref_squeeze %dma_wait3A_220 : memref<1x1x80xi32, #tpu.memory_space<hbm>> -> memref<80xi32, #tpu.memory_space<hbm>>
        tpu.wait_dma2 semaphore(%arg25 : memref<!tpu.dma_semaphore, #tpu.memory_space<semaphore_mem>>) src(%dma_wait3A_221 : memref<80xi32, #tpu.memory_space<hbm>>) dst(%arg12 : memref<80xi32, #tpu.memory_space<vmem>>)
        %dma_wait3A_222 = arith.constant 0 : i32
        %dma_wait3A_223 = tpu.memref_slice %arg11[%min3A_183, %dma_wait3A_222] : memref<125x80xi32, #tpu.memory_space<vmem>> -> memref<1x80xi32, #tpu.memory_space<vmem>>
        %dma_wait3A_224 = tpu.memref_squeeze %dma_wait3A_223 : memref<1x80xi32, #tpu.memory_space<vmem>> -> memref<80xi32, #tpu.memory_space<vmem>>
        %dma_wait3A_225 = arith.constant 0 : i32
        %dma_wait3A_226 = arith.constant 0 : i32
        %dma_wait3A_227 = tpu.memref_slice %arg4[%dma_wait3A_225, %dma_wait3A_226] : memref<10000x128xf32, #tpu.memory_space<hbm>> -> memref<10000x128xf32, #tpu.memory_space<hbm>>
        tpu.wait_indirect_dma semaphore(%arg19 : memref<!tpu.dma_semaphore, #tpu.memory_space<semaphore_mem>>) src(%dma_wait3A_227 : memref<10000x128xf32, #tpu.memory_space<hbm>>) dst(%arg15 : memref<80x128xf32, #tpu.memory_space<vmem>>)
        %dma_start3A_228 = arith.constant 0 : i32
        %dma_start3A_229 = arith.constant 0 : i32
        %dma_start3A_230 = tpu.memref_slice %arg18[%dma_start3A_228, %dma_start3A_229] : memref<10112x128xf32, #tpu.memory_space<vmem_shared>> -> memref<10112x128xf32, #tpu.memory_space<vmem_shared>>
        tpu.enqueue_indirect_dma source(%arg15 : memref<80x128xf32, #tpu.memory_space<vmem>>) target(%dma_start3A_230 : memref<10112x128xf32, #tpu.memory_space<vmem_shared>>) offsets(%arg12 : memref<80xi32, #tpu.memory_space<vmem>>) semaphore(%arg22 : memref<!tpu.dma_semaphore, #tpu.memory_space<semaphore_mem>>) {add = true}
        %ge3A = arith.constant 1 : i32
        %ge3A_231 = arith.cmpi sge, %add3A_182, %ge3A : i32
        %convert_element_type3A_232 = arith.extui %ge3A_231 : i1 to i32
        %cond3A_233 = arith.constant 0 : i32
        %cond3A_234 = arith.cmpi ne, %convert_element_type3A_232, %cond3A_233 : i32
        scf.if %cond3A_234 {
          %dma_wait3A_242 = arith.constant 0 : i32
          %dma_wait3A_243 = arith.constant 0 : i32
          %dma_wait3A_244 = tpu.memref_slice %arg18[%dma_wait3A_242, %dma_wait3A_243] : memref<10112x128xf32, #tpu.memory_space<vmem_shared>> -> memref<10112x128xf32, #tpu.memory_space<vmem_shared>>
          tpu.wait_indirect_dma semaphore(%arg24 : memref<!tpu.dma_semaphore, #tpu.memory_space<semaphore_mem>>) src(%arg17 : memref<80x128xf32, #tpu.memory_space<vmem>>) dst(%dma_wait3A_244 : memref<10112x128xf32, #tpu.memory_space<vmem_shared>>)
        } else {
        }
        %add3A_235 = arith.constant 2 : i32
        %add3A_236 = arith.addi %add3A_182, %add3A_235 : i32
        %lt3A_237 = arith.constant 125 : i32
        %lt3A_238 = arith.cmpi slt, %add3A_236, %lt3A_237 : i32
        %convert_element_type3A_239 = arith.extui %lt3A_238 : i1 to i32
        %cond3A_240 = arith.constant 0 : i32
        %cond3A_241 = arith.cmpi ne, %convert_element_type3A_239, %cond3A_240 : i32
        scf.if %cond3A_241 {
          %dma_start3A_242 = arith.constant 0 : i32
          %dma_start3A_243 = tpu.memref_slice %arg3[%add3A, %min3A_187, %dma_start3A_242] : memref<32x125x80xi32, #tpu.memory_space<hbm>> -> memref<1x1x80xi32, #tpu.memory_space<hbm>>
          %dma_start3A_244 = tpu.memref_squeeze %dma_start3A_243 : memref<1x1x80xi32, #tpu.memory_space<hbm>> -> memref<80xi32, #tpu.memory_space<hbm>>
          %dma_start3A_245 = arith.constant 0 : i32
          %dma_start3A_246 = tpu.memref_slice %arg3[%add3A, %min3A_187, %dma_start3A_245] : memref<32x125x80xi32, #tpu.memory_space<hbm>> -> memref<1x1x80xi32, #tpu.memory_space<hbm>>
          %dma_start3A_247 = tpu.memref_squeeze %dma_start3A_246 : memref<1x1x80xi32, #tpu.memory_space<hbm>> -> memref<80xi32, #tpu.memory_space<hbm>>
          tpu.enqueue_dma source(%dma_start3A_247 : memref<80xi32, #tpu.memory_space<hbm>>) target(%arg14 : memref<80xi32, #tpu.memory_space<vmem>>) target_semaphore(%arg27 : memref<!tpu.dma_semaphore, #tpu.memory_space<semaphore_mem>>)
          %dma_start3A_248 = arith.constant 0 : i32
          %dma_start3A_249 = tpu.memref_slice %arg11[%min3A_187, %dma_start3A_248] : memref<125x80xi32, #tpu.memory_space<vmem>> -> memref<1x80xi32, #tpu.memory_space<vmem>>
          %dma_start3A_250 = tpu.memref_squeeze %dma_start3A_249 : memref<1x80xi32, #tpu.memory_space<vmem>> -> memref<80xi32, #tpu.memory_space<vmem>>
          %dma_start3A_251 = arith.constant 0 : i32
          %dma_start3A_252 = arith.constant 0 : i32
          %dma_start3A_253 = tpu.memref_slice %arg4[%dma_start3A_251, %dma_start3A_252] : memref<10000x128xf32, #tpu.memory_space<hbm>> -> memref<10000x128xf32, #tpu.memory_space<hbm>>
          tpu.enqueue_indirect_dma source(%dma_start3A_253 : memref<10000x128xf32, #tpu.memory_space<hbm>>) target(%arg17 : memref<80x128xf32, #tpu.memory_space<vmem>>) offsets(%dma_start3A_250 : memref<80xi32, #tpu.memory_space<vmem>>) semaphore(%arg21 : memref<!tpu.dma_semaphore, #tpu.memory_space<semaphore_mem>>)
        } else {
        }
      } else {
      }
      %add3A_190 = arith.constant 1 : i32
      %add3A_191 = arith.addi %add3A_180, %add3A_190 : i32
      %min3A_192 = arith.constant 124 : i32
      %min3A_193 = arith.minsi %add3A_191, %min3A_192 : i32
      %add3A_194 = arith.constant 2 : i32
      %add3A_195 = arith.addi %add3A_191, %add3A_194 : i32
      %min3A_196 = arith.constant 124 : i32
      %min3A_197 = arith.minsi %add3A_195, %min3A_196 : i32
      %lt3A_198 = arith.constant 125 : i32
      %lt3A_199 = arith.cmpi slt, %add3A_191, %lt3A_198 : i32
      %convert_element_type3A_200 = arith.extui %lt3A_199 : i1 to i32
      %cond3A_201 = arith.constant 0 : i32
      %cond3A_202 = arith.cmpi ne, %convert_element_type3A_200, %cond3A_201 : i32
      scf.if %cond3A_202 {
        %dma_wait3A_216 = arith.constant 0 : i32
        %dma_wait3A_217 = tpu.memref_slice %arg3[%add3A, %min3A_193, %dma_wait3A_216] : memref<32x125x80xi32, #tpu.memory_space<hbm>> -> memref<1x1x80xi32, #tpu.memory_space<hbm>>
        %dma_wait3A_218 = tpu.memref_squeeze %dma_wait3A_217 : memref<1x1x80xi32, #tpu.memory_space<hbm>> -> memref<80xi32, #tpu.memory_space<hbm>>
        %dma_wait3A_219 = arith.constant 0 : i32
        %dma_wait3A_220 = tpu.memref_slice %arg3[%add3A, %min3A_193, %dma_wait3A_219] : memref<32x125x80xi32, #tpu.memory_space<hbm>> -> memref<1x1x80xi32, #tpu.memory_space<hbm>>
        %dma_wait3A_221 = tpu.memref_squeeze %dma_wait3A_220 : memref<1x1x80xi32, #tpu.memory_space<hbm>> -> memref<80xi32, #tpu.memory_space<hbm>>
        tpu.wait_dma2 semaphore(%arg26 : memref<!tpu.dma_semaphore, #tpu.memory_space<semaphore_mem>>) src(%dma_wait3A_221 : memref<80xi32, #tpu.memory_space<hbm>>) dst(%arg13 : memref<80xi32, #tpu.memory_space<vmem>>)
        %dma_wait3A_222 = arith.constant 0 : i32
        %dma_wait3A_223 = tpu.memref_slice %arg11[%min3A_193, %dma_wait3A_222] : memref<125x80xi32, #tpu.memory_space<vmem>> -> memref<1x80xi32, #tpu.memory_space<vmem>>
        %dma_wait3A_224 = tpu.memref_squeeze %dma_wait3A_223 : memref<1x80xi32, #tpu.memory_space<vmem>> -> memref<80xi32, #tpu.memory_space<vmem>>
        %dma_wait3A_225 = arith.constant 0 : i32
        %dma_wait3A_226 = arith.constant 0 : i32
        %dma_wait3A_227 = tpu.memref_slice %arg4[%dma_wait3A_225, %dma_wait3A_226] : memref<10000x128xf32, #tpu.memory_space<hbm>> -> memref<10000x128xf32, #tpu.memory_space<hbm>>
        tpu.wait_indirect_dma semaphore(%arg20 : memref<!tpu.dma_semaphore, #tpu.memory_space<semaphore_mem>>) src(%dma_wait3A_227 : memref<10000x128xf32, #tpu.memory_space<hbm>>) dst(%arg16 : memref<80x128xf32, #tpu.memory_space<vmem>>)
        %dma_start3A_228 = arith.constant 0 : i32
        %dma_start3A_229 = arith.constant 0 : i32
        %dma_start3A_230 = tpu.memref_slice %arg18[%dma_start3A_228, %dma_start3A_229] : memref<10112x128xf32, #tpu.memory_space<vmem_shared>> -> memref<10112x128xf32, #tpu.memory_space<vmem_shared>>
        tpu.enqueue_indirect_dma source(%arg16 : memref<80x128xf32, #tpu.memory_space<vmem>>) target(%dma_start3A_230 : memref<10112x128xf32, #tpu.memory_space<vmem_shared>>) offsets(%arg13 : memref<80xi32, #tpu.memory_space<vmem>>) semaphore(%arg23 : memref<!tpu.dma_semaphore, #tpu.memory_space<semaphore_mem>>) {add = true}
        %ge3A = arith.constant 1 : i32
        %ge3A_231 = arith.cmpi sge, %add3A_191, %ge3A : i32
        %convert_element_type3A_232 = arith.extui %ge3A_231 : i1 to i32
        %cond3A_233 = arith.constant 0 : i32
        %cond3A_234 = arith.cmpi ne, %convert_element_type3A_232, %cond3A_233 : i32
        scf.if %cond3A_234 {
          %dma_wait3A_242 = arith.constant 0 : i32
          %dma_wait3A_243 = arith.constant 0 : i32
          %dma_wait3A_244 = tpu.memref_slice %arg18[%dma_wait3A_242, %dma_wait3A_243] : memref<10112x128xf32, #tpu.memory_space<vmem_shared>> -> memref<10112x128xf32, #tpu.memory_space<vmem_shared>>
          tpu.wait_indirect_dma semaphore(%arg22 : memref<!tpu.dma_semaphore, #tpu.memory_space<semaphore_mem>>) src(%arg15 : memref<80x128xf32, #tpu.memory_space<vmem>>) dst(%dma_wait3A_244 : memref<10112x128xf32, #tpu.memory_space<vmem_shared>>)
        } else {
        }
        %add3A_235 = arith.constant 2 : i32
        %add3A_236 = arith.addi %add3A_191, %add3A_235 : i32
        %lt3A_237 = arith.constant 125 : i32
        %lt3A_238 = arith.cmpi slt, %add3A_236, %lt3A_237 : i32
        %convert_element_type3A_239 = arith.extui %lt3A_238 : i1 to i32
        %cond3A_240 = arith.constant 0 : i32
        %cond3A_241 = arith.cmpi ne, %convert_element_type3A_239, %cond3A_240 : i32
        scf.if %cond3A_241 {
          %dma_start3A_242 = arith.constant 0 : i32
          %dma_start3A_243 = tpu.memref_slice %arg3[%add3A, %min3A_197, %dma_start3A_242] : memref<32x125x80xi32, #tpu.memory_space<hbm>> -> memref<1x1x80xi32, #tpu.memory_space<hbm>>
          %dma_start3A_244 = tpu.memref_squeeze %dma_start3A_243 : memref<1x1x80xi32, #tpu.memory_space<hbm>> -> memref<80xi32, #tpu.memory_space<hbm>>
          %dma_start3A_245 = arith.constant 0 : i32
          %dma_start3A_246 = tpu.memref_slice %arg3[%add3A, %min3A_197, %dma_start3A_245] : memref<32x125x80xi32, #tpu.memory_space<hbm>> -> memref<1x1x80xi32, #tpu.memory_space<hbm>>
          %dma_start3A_247 = tpu.memref_squeeze %dma_start3A_246 : memref<1x1x80xi32, #tpu.memory_space<hbm>> -> memref<80xi32, #tpu.memory_space<hbm>>
          tpu.enqueue_dma source(%dma_start3A_247 : memref<80xi32, #tpu.memory_space<hbm>>) target(%arg12 : memref<80xi32, #tpu.memory_space<vmem>>) target_semaphore(%arg25 : memref<!tpu.dma_semaphore, #tpu.memory_space<semaphore_mem>>)
          %dma_start3A_248 = arith.constant 0 : i32
          %dma_start3A_249 = tpu.memref_slice %arg11[%min3A_197, %dma_start3A_248] : memref<125x80xi32, #tpu.memory_space<vmem>> -> memref<1x80xi32, #tpu.memory_space<vmem>>
          %dma_start3A_250 = tpu.memref_squeeze %dma_start3A_249 : memref<1x80xi32, #tpu.memory_space<vmem>> -> memref<80xi32, #tpu.memory_space<vmem>>
          %dma_start3A_251 = arith.constant 0 : i32
          %dma_start3A_252 = arith.constant 0 : i32
          %dma_start3A_253 = tpu.memref_slice %arg4[%dma_start3A_251, %dma_start3A_252] : memref<10000x128xf32, #tpu.memory_space<hbm>> -> memref<10000x128xf32, #tpu.memory_space<hbm>>
          tpu.enqueue_indirect_dma source(%dma_start3A_253 : memref<10000x128xf32, #tpu.memory_space<hbm>>) target(%arg15 : memref<80x128xf32, #tpu.memory_space<vmem>>) offsets(%dma_start3A_250 : memref<80xi32, #tpu.memory_space<vmem>>) semaphore(%arg19 : memref<!tpu.dma_semaphore, #tpu.memory_space<semaphore_mem>>)
        } else {
        }
      } else {
      }
      %add3A_203 = arith.constant 2 : i32
      %add3A_204 = arith.addi %add3A_180, %add3A_203 : i32
      %min3A_205 = arith.constant 124 : i32
      %min3A_206 = arith.minsi %add3A_204, %min3A_205 : i32
      %add3A_207 = arith.constant 2 : i32
      %add3A_208 = arith.addi %add3A_204, %add3A_207 : i32
      %min3A_209 = arith.constant 124 : i32
      %min3A_210 = arith.minsi %add3A_208, %min3A_209 : i32
      %lt3A_211 = arith.constant 125 : i32
      %lt3A_212 = arith.cmpi slt, %add3A_204, %lt3A_211 : i32
      %convert_element_type3A_213 = arith.extui %lt3A_212 : i1 to i32
      %cond3A_214 = arith.constant 0 : i32
      %cond3A_215 = arith.cmpi ne, %convert_element_type3A_213, %cond3A_214 : i32
      scf.if %cond3A_215 {
        %dma_wait3A_216 = arith.constant 0 : i32
        %dma_wait3A_217 = tpu.memref_slice %arg3[%add3A, %min3A_206, %dma_wait3A_216] : memref<32x125x80xi32, #tpu.memory_space<hbm>> -> memref<1x1x80xi32, #tpu.memory_space<hbm>>
        %dma_wait3A_218 = tpu.memref_squeeze %dma_wait3A_217 : memref<1x1x80xi32, #tpu.memory_space<hbm>> -> memref<80xi32, #tpu.memory_space<hbm>>
        %dma_wait3A_219 = arith.constant 0 : i32
        %dma_wait3A_220 = tpu.memref_slice %arg3[%add3A, %min3A_206, %dma_wait3A_219] : memref<32x125x80xi32, #tpu.memory_space<hbm>> -> memref<1x1x80xi32, #tpu.memory_space<hbm>>
        %dma_wait3A_221 = tpu.memref_squeeze %dma_wait3A_220 : memref<1x1x80xi32, #tpu.memory_space<hbm>> -> memref<80xi32, #tpu.memory_space<hbm>>
        tpu.wait_dma2 semaphore(%arg27 : memref<!tpu.dma_semaphore, #tpu.memory_space<semaphore_mem>>) src(%dma_wait3A_221 : memref<80xi32, #tpu.memory_space<hbm>>) dst(%arg14 : memref<80xi32, #tpu.memory_space<vmem>>)
        %dma_wait3A_222 = arith.constant 0 : i32
        %dma_wait3A_223 = tpu.memref_slice %arg11[%min3A_206, %dma_wait3A_222] : memref<125x80xi32, #tpu.memory_space<vmem>> -> memref<1x80xi32, #tpu.memory_space<vmem>>
        %dma_wait3A_224 = tpu.memref_squeeze %dma_wait3A_223 : memref<1x80xi32, #tpu.memory_space<vmem>> -> memref<80xi32, #tpu.memory_space<vmem>>
        %dma_wait3A_225 = arith.constant 0 : i32
        %dma_wait3A_226 = arith.constant 0 : i32
        %dma_wait3A_227 = tpu.memref_slice %arg4[%dma_wait3A_225, %dma_wait3A_226] : memref<10000x128xf32, #tpu.memory_space<hbm>> -> memref<10000x128xf32, #tpu.memory_space<hbm>>
        tpu.wait_indirect_dma semaphore(%arg21 : memref<!tpu.dma_semaphore, #tpu.memory_space<semaphore_mem>>) src(%dma_wait3A_227 : memref<10000x128xf32, #tpu.memory_space<hbm>>) dst(%arg17 : memref<80x128xf32, #tpu.memory_space<vmem>>)
        %dma_start3A_228 = arith.constant 0 : i32
        %dma_start3A_229 = arith.constant 0 : i32
        %dma_start3A_230 = tpu.memref_slice %arg18[%dma_start3A_228, %dma_start3A_229] : memref<10112x128xf32, #tpu.memory_space<vmem_shared>> -> memref<10112x128xf32, #tpu.memory_space<vmem_shared>>
        tpu.enqueue_indirect_dma source(%arg17 : memref<80x128xf32, #tpu.memory_space<vmem>>) target(%dma_start3A_230 : memref<10112x128xf32, #tpu.memory_space<vmem_shared>>) offsets(%arg14 : memref<80xi32, #tpu.memory_space<vmem>>) semaphore(%arg24 : memref<!tpu.dma_semaphore, #tpu.memory_space<semaphore_mem>>) {add = true}
        %ge3A = arith.constant 1 : i32
        %ge3A_231 = arith.cmpi sge, %add3A_204, %ge3A : i32
        %convert_element_type3A_232 = arith.extui %ge3A_231 : i1 to i32
        %cond3A_233 = arith.constant 0 : i32
        %cond3A_234 = arith.cmpi ne, %convert_element_type3A_232, %cond3A_233 : i32
        scf.if %cond3A_234 {
          %dma_wait3A_242 = arith.constant 0 : i32
          %dma_wait3A_243 = arith.constant 0 : i32
          %dma_wait3A_244 = tpu.memref_slice %arg18[%dma_wait3A_242, %dma_wait3A_243] : memref<10112x128xf32, #tpu.memory_space<vmem_shared>> -> memref<10112x128xf32, #tpu.memory_space<vmem_shared>>
          tpu.wait_indirect_dma semaphore(%arg23 : memref<!tpu.dma_semaphore, #tpu.memory_space<semaphore_mem>>) src(%arg16 : memref<80x128xf32, #tpu.memory_space<vmem>>) dst(%dma_wait3A_244 : memref<10112x128xf32, #tpu.memory_space<vmem_shared>>)
        } else {
        }
        %add3A_235 = arith.constant 2 : i32
        %add3A_236 = arith.addi %add3A_204, %add3A_235 : i32
        %lt3A_237 = arith.constant 125 : i32
        %lt3A_238 = arith.cmpi slt, %add3A_236, %lt3A_237 : i32
        %convert_element_type3A_239 = arith.extui %lt3A_238 : i1 to i32
        %cond3A_240 = arith.constant 0 : i32
        %cond3A_241 = arith.cmpi ne, %convert_element_type3A_239, %cond3A_240 : i32
        scf.if %cond3A_241 {
          %dma_start3A_242 = arith.constant 0 : i32
          %dma_start3A_243 = tpu.memref_slice %arg3[%add3A, %min3A_210, %dma_start3A_242] : memref<32x125x80xi32, #tpu.memory_space<hbm>> -> memref<1x1x80xi32, #tpu.memory_space<hbm>>
          %dma_start3A_244 = tpu.memref_squeeze %dma_start3A_243 : memref<1x1x80xi32, #tpu.memory_space<hbm>> -> memref<80xi32, #tpu.memory_space<hbm>>
          %dma_start3A_245 = arith.constant 0 : i32
          %dma_start3A_246 = tpu.memref_slice %arg3[%add3A, %min3A_210, %dma_start3A_245] : memref<32x125x80xi32, #tpu.memory_space<hbm>> -> memref<1x1x80xi32, #tpu.memory_space<hbm>>
          %dma_start3A_247 = tpu.memref_squeeze %dma_start3A_246 : memref<1x1x80xi32, #tpu.memory_space<hbm>> -> memref<80xi32, #tpu.memory_space<hbm>>
          tpu.enqueue_dma source(%dma_start3A_247 : memref<80xi32, #tpu.memory_space<hbm>>) target(%arg13 : memref<80xi32, #tpu.memory_space<vmem>>) target_semaphore(%arg26 : memref<!tpu.dma_semaphore, #tpu.memory_space<semaphore_mem>>)
          %dma_start3A_248 = arith.constant 0 : i32
          %dma_start3A_249 = tpu.memref_slice %arg11[%min3A_210, %dma_start3A_248] : memref<125x80xi32, #tpu.memory_space<vmem>> -> memref<1x80xi32, #tpu.memory_space<vmem>>
          %dma_start3A_250 = tpu.memref_squeeze %dma_start3A_249 : memref<1x80xi32, #tpu.memory_space<vmem>> -> memref<80xi32, #tpu.memory_space<vmem>>
          %dma_start3A_251 = arith.constant 0 : i32
          %dma_start3A_252 = arith.constant 0 : i32
          %dma_start3A_253 = tpu.memref_slice %arg4[%dma_start3A_251, %dma_start3A_252] : memref<10000x128xf32, #tpu.memory_space<hbm>> -> memref<10000x128xf32, #tpu.memory_space<hbm>>
          tpu.enqueue_indirect_dma source(%dma_start3A_253 : memref<10000x128xf32, #tpu.memory_space<hbm>>) target(%arg16 : memref<80x128xf32, #tpu.memory_space<vmem>>) offsets(%dma_start3A_250 : memref<80xi32, #tpu.memory_space<vmem>>) semaphore(%arg20 : memref<!tpu.dma_semaphore, #tpu.memory_space<semaphore_mem>>)
        } else {
        }
      } else {
      }
    }
    %scan3A_33 = arith.constant 42 : i32
    %dma_wait3A = arith.constant 0 : i32
    %dma_wait3A_34 = arith.constant 0 : i32
    %dma_wait3A_35 = tpu.memref_slice %arg18[%dma_wait3A, %dma_wait3A_34] : memref<10112x128xf32, #tpu.memory_space<vmem_shared>> -> memref<10112x128xf32, #tpu.memory_space<vmem_shared>>
    tpu.wait_indirect_dma semaphore(%arg23 : memref<!tpu.dma_semaphore, #tpu.memory_space<semaphore_mem>>) src(%arg16 : memref<80x128xf32, #tpu.memory_space<vmem>>) dst(%dma_wait3A_35 : memref<10112x128xf32, #tpu.memory_space<vmem_shared>>)
    %barrier3A_36 = arith.constant 0 : index
    tpu.barrier barrier_id(%barrier3A_36)
    %run_scoped3A = arith.constant 0 : i32
    "tpu.region"() ({
      %run_scoped3A_176 = tpu.sem_alloc : memref<!tpu.dma_semaphore, #tpu.memory_space<semaphore_mem>>
      %dma_start3A_177 = arith.constant 0 : i32
      %dma_start3A_178 = tpu.memref_slice %arg10[%run_scoped3A, %arg0, %multiple_of3A, %dma_start3A_177] : memref<5x2x10112x128xf32, #tpu.memory_space<hbm>> -> memref<1x1x632x128xf32, #tpu.memory_space<hbm>>
      %dma_start3A_179 = tpu.memref_squeeze %dma_start3A_178 : memref<1x1x632x128xf32, #tpu.memory_space<hbm>> -> memref<632x128xf32, #tpu.memory_space<hbm>>
      %dma_start3A_180 = arith.constant 0 : i32
      %dma_start3A_181 = tpu.memref_slice %arg18[%multiple_of3A, %dma_start3A_180] : memref<10112x128xf32, #tpu.memory_space<vmem_shared>> -> memref<632x128xf32, #tpu.memory_space<vmem_shared>>
      tpu.enqueue_dma source(%dma_start3A_181 : memref<632x128xf32, #tpu.memory_space<vmem_shared>>) target(%dma_start3A_179 : memref<632x128xf32, #tpu.memory_space<hbm>>) target_semaphore(%run_scoped3A_176 : memref<!tpu.dma_semaphore, #tpu.memory_space<semaphore_mem>>)
      %dma_wait3A_182 = arith.constant 0 : i32
      %dma_wait3A_183 = tpu.memref_slice %arg10[%run_scoped3A, %arg0, %multiple_of3A, %dma_wait3A_182] : memref<5x2x10112x128xf32, #tpu.memory_space<hbm>> -> memref<1x1x632x128xf32, #tpu.memory_space<hbm>>
      %dma_wait3A_184 = tpu.memref_squeeze %dma_wait3A_183 : memref<1x1x632x128xf32, #tpu.memory_space<hbm>> -> memref<632x128xf32, #tpu.memory_space<hbm>>
      %dma_wait3A_185 = arith.constant 0 : i32
      %dma_wait3A_186 = tpu.memref_slice %arg18[%multiple_of3A, %dma_wait3A_185] : memref<10112x128xf32, #tpu.memory_space<vmem_shared>> -> memref<632x128xf32, #tpu.memory_space<vmem_shared>>
      tpu.wait_dma2 semaphore(%run_scoped3A_176 : memref<!tpu.dma_semaphore, #tpu.memory_space<semaphore_mem>>) src(%dma_wait3A_186 : memref<632x128xf32, #tpu.memory_space<vmem_shared>>) dst(%dma_wait3A_184 : memref<632x128xf32, #tpu.memory_space<hbm>>)
      tpu.yield
    }) : () -> ()
    "tpu.region"() ({
      %run_scoped3A_176 = tpu.sem_alloc : memref<!tpu.dma_semaphore, #tpu.memory_space<semaphore_mem>>
      %dma_start3A_177 = arith.constant 0 : i32
      %dma_start3A_178 = tpu.memref_slice %arg18[%multiple_of3A, %dma_start3A_177] : memref<10112x128xf32, #tpu.memory_space<vmem_shared>> -> memref<632x128xf32, #tpu.memory_space<vmem_shared>>
      tpu.enqueue_dma source(%arg8 : memref<632x128xf32, #tpu.memory_space<hbm>>) target(%dma_start3A_178 : memref<632x128xf32, #tpu.memory_space<vmem_shared>>) target_semaphore(%run_scoped3A_176 : memref<!tpu.dma_semaphore, #tpu.memory_space<semaphore_mem>>)
      %dma_wait3A_179 = arith.constant 0 : i32
      %dma_wait3A_180 = tpu.memref_slice %arg18[%multiple_of3A, %dma_wait3A_179] : memref<10112x128xf32, #tpu.memory_space<vmem_shared>> -> memref<632x128xf32, #tpu.memory_space<vmem_shared>>
      tpu.wait_dma2 semaphore(%run_scoped3A_176 : memref<!tpu.dma_semaphore, #tpu.memory_space<semaphore_mem>>) src(%arg8 : memref<632x128xf32, #tpu.memory_space<hbm>>) dst(%dma_wait3A_180 : memref<632x128xf32, #tpu.memory_space<vmem_shared>>)
      tpu.yield
    }) : () -> ()
    %barrier3A_37 = arith.constant 0 : index
    tpu.barrier barrier_id(%barrier3A_37)
    %dma_start3A_38 = arith.constant 0 : i32
    %dma_start3A_39 = arith.constant 0 : i32
    %dma_start3A_40 = tpu.memref_slice %arg3[%add3A, %dma_start3A_38, %dma_start3A_39] : memref<32x125x80xi32, #tpu.memory_space<hbm>> -> memref<1x1x80xi32, #tpu.memory_space<hbm>>
    %dma_start3A_41 = tpu.memref_squeeze %dma_start3A_40 : memref<1x1x80xi32, #tpu.memory_space<hbm>> -> memref<80xi32, #tpu.memory_space<hbm>>
    %dma_start3A_42 = arith.constant 0 : i32
    %dma_start3A_43 = tpu.memref_slice %arg3[%add3A, %dma_start3A_38, %dma_start3A_42] : memref<32x125x80xi32, #tpu.memory_space<hbm>> -> memref<1x1x80xi32, #tpu.memory_space<hbm>>
    %dma_start3A_44 = tpu.memref_squeeze %dma_start3A_43 : memref<1x1x80xi32, #tpu.memory_space<hbm>> -> memref<80xi32, #tpu.memory_space<hbm>>
    tpu.enqueue_dma source(%dma_start3A_44 : memref<80xi32, #tpu.memory_space<hbm>>) target(%arg12 : memref<80xi32, #tpu.memory_space<vmem>>) target_semaphore(%arg25 : memref<!tpu.dma_semaphore, #tpu.memory_space<semaphore_mem>>)
    %dma_start3A_45 = arith.constant 1 : i32
    %dma_start3A_46 = arith.constant 0 : i32
    %dma_start3A_47 = tpu.memref_slice %arg3[%add3A, %dma_start3A_45, %dma_start3A_46] : memref<32x125x80xi32, #tpu.memory_space<hbm>> -> memref<1x1x80xi32, #tpu.memory_space<hbm>>
    %dma_start3A_48 = tpu.memref_squeeze %dma_start3A_47 : memref<1x1x80xi32, #tpu.memory_space<hbm>> -> memref<80xi32, #tpu.memory_space<hbm>>
    %dma_start3A_49 = arith.constant 0 : i32
    %dma_start3A_50 = tpu.memref_slice %arg3[%add3A, %dma_start3A_45, %dma_start3A_49] : memref<32x125x80xi32, #tpu.memory_space<hbm>> -> memref<1x1x80xi32, #tpu.memory_space<hbm>>
    %dma_start3A_51 = tpu.memref_squeeze %dma_start3A_50 : memref<1x1x80xi32, #tpu.memory_space<hbm>> -> memref<80xi32, #tpu.memory_space<hbm>>
    tpu.enqueue_dma source(%dma_start3A_51 : memref<80xi32, #tpu.memory_space<hbm>>) target(%arg13 : memref<80xi32, #tpu.memory_space<vmem>>) target_semaphore(%arg26 : memref<!tpu.dma_semaphore, #tpu.memory_space<semaphore_mem>>)
    %dma_start3A_52 = arith.constant 0 : i32
    %dma_start3A_53 = arith.constant 0 : i32
    %dma_start3A_54 = tpu.memref_slice %arg11[%dma_start3A_52, %dma_start3A_53] : memref<125x80xi32, #tpu.memory_space<vmem>> -> memref<1x80xi32, #tpu.memory_space<vmem>>
    %dma_start3A_55 = tpu.memref_squeeze %dma_start3A_54 : memref<1x80xi32, #tpu.memory_space<vmem>> -> memref<80xi32, #tpu.memory_space<vmem>>
    %dma_start3A_56 = arith.constant 0 : i32
    %dma_start3A_57 = arith.constant 0 : i32
    %dma_start3A_58 = tpu.memref_slice %arg5[%dma_start3A_56, %dma_start3A_57] : memref<10000x128xf32, #tpu.memory_space<hbm>> -> memref<10000x128xf32, #tpu.memory_space<hbm>>
    tpu.enqueue_indirect_dma source(%dma_start3A_58 : memref<10000x128xf32, #tpu.memory_space<hbm>>) target(%arg15 : memref<80x128xf32, #tpu.memory_space<vmem>>) offsets(%dma_start3A_55 : memref<80xi32, #tpu.memory_space<vmem>>) semaphore(%arg19 : memref<!tpu.dma_semaphore, #tpu.memory_space<semaphore_mem>>)
    %dma_start3A_59 = arith.constant 1 : i32
    %dma_start3A_60 = arith.constant 0 : i32
    %dma_start3A_61 = tpu.memref_slice %arg11[%dma_start3A_59, %dma_start3A_60] : memref<125x80xi32, #tpu.memory_space<vmem>> -> memref<1x80xi32, #tpu.memory_space<vmem>>
    %dma_start3A_62 = tpu.memref_squeeze %dma_start3A_61 : memref<1x80xi32, #tpu.memory_space<vmem>> -> memref<80xi32, #tpu.memory_space<vmem>>
    %dma_start3A_63 = arith.constant 0 : i32
    %dma_start3A_64 = arith.constant 0 : i32
    %dma_start3A_65 = tpu.memref_slice %arg5[%dma_start3A_63, %dma_start3A_64] : memref<10000x128xf32, #tpu.memory_space<hbm>> -> memref<10000x128xf32, #tpu.memory_space<hbm>>
    tpu.enqueue_indirect_dma source(%dma_start3A_65 : memref<10000x128xf32, #tpu.memory_space<hbm>>) target(%arg16 : memref<80x128xf32, #tpu.memory_space<vmem>>) offsets(%dma_start3A_62 : memref<80xi32, #tpu.memory_space<vmem>>) semaphore(%arg20 : memref<!tpu.dma_semaphore, #tpu.memory_space<semaphore_mem>>)
    %scan3A_66 = arith.constant 0 : i32
    %scan3A_67 = arith.constant 42 : i32
    %scan3A_68 = arith.addi %scan3A_66, %scan3A_67 : i32
    %scan3A_69 = arith.constant 1 : i32
    scf.for %scan3A_176 = %scan3A_66 to %scan3A_68 step %scan3A_69  : i32 {
      %mul3A_177 = arith.constant 3 : i32
      %mul3A_178 = arith.muli %scan3A_176, %mul3A_177 : i32
      %add3A_179 = arith.constant 0 : i32
      %add3A_180 = arith.addi %add3A_179, %mul3A_178 : i32
      %add3A_181 = arith.constant 0 : i32
      %add3A_182 = arith.addi %add3A_180, %add3A_181 : i32
      %min3A = arith.constant 124 : i32
      %min3A_183 = arith.minsi %add3A_182, %min3A : i32
      %add3A_184 = arith.constant 2 : i32
      %add3A_185 = arith.addi %add3A_182, %add3A_184 : i32
      %min3A_186 = arith.constant 124 : i32
      %min3A_187 = arith.minsi %add3A_185, %min3A_186 : i32
      %lt3A = arith.constant 125 : i32
      %lt3A_188 = arith.cmpi slt, %add3A_182, %lt3A : i32
      %convert_element_type3A = arith.extui %lt3A_188 : i1 to i32
      %cond3A = arith.constant 0 : i32
      %cond3A_189 = arith.cmpi ne, %convert_element_type3A, %cond3A : i32
      scf.if %cond3A_189 {
        %dma_wait3A_216 = arith.constant 0 : i32
        %dma_wait3A_217 = tpu.memref_slice %arg3[%add3A, %min3A_183, %dma_wait3A_216] : memref<32x125x80xi32, #tpu.memory_space<hbm>> -> memref<1x1x80xi32, #tpu.memory_space<hbm>>
        %dma_wait3A_218 = tpu.memref_squeeze %dma_wait3A_217 : memref<1x1x80xi32, #tpu.memory_space<hbm>> -> memref<80xi32, #tpu.memory_space<hbm>>
        %dma_wait3A_219 = arith.constant 0 : i32
        %dma_wait3A_220 = tpu.memref_slice %arg3[%add3A, %min3A_183, %dma_wait3A_219] : memref<32x125x80xi32, #tpu.memory_space<hbm>> -> memref<1x1x80xi32, #tpu.memory_space<hbm>>
        %dma_wait3A_221 = tpu.memref_squeeze %dma_wait3A_220 : memref<1x1x80xi32, #tpu.memory_space<hbm>> -> memref<80xi32, #tpu.memory_space<hbm>>
        tpu.wait_dma2 semaphore(%arg25 : memref<!tpu.dma_semaphore, #tpu.memory_space<semaphore_mem>>) src(%dma_wait3A_221 : memref<80xi32, #tpu.memory_space<hbm>>) dst(%arg12 : memref<80xi32, #tpu.memory_space<vmem>>)
        %dma_wait3A_222 = arith.constant 0 : i32
        %dma_wait3A_223 = tpu.memref_slice %arg11[%min3A_183, %dma_wait3A_222] : memref<125x80xi32, #tpu.memory_space<vmem>> -> memref<1x80xi32, #tpu.memory_space<vmem>>
        %dma_wait3A_224 = tpu.memref_squeeze %dma_wait3A_223 : memref<1x80xi32, #tpu.memory_space<vmem>> -> memref<80xi32, #tpu.memory_space<vmem>>
        %dma_wait3A_225 = arith.constant 0 : i32
        %dma_wait3A_226 = arith.constant 0 : i32
        %dma_wait3A_227 = tpu.memref_slice %arg5[%dma_wait3A_225, %dma_wait3A_226] : memref<10000x128xf32, #tpu.memory_space<hbm>> -> memref<10000x128xf32, #tpu.memory_space<hbm>>
        tpu.wait_indirect_dma semaphore(%arg19 : memref<!tpu.dma_semaphore, #tpu.memory_space<semaphore_mem>>) src(%dma_wait3A_227 : memref<10000x128xf32, #tpu.memory_space<hbm>>) dst(%arg15 : memref<80x128xf32, #tpu.memory_space<vmem>>)
        %dma_start3A_228 = arith.constant 0 : i32
        %dma_start3A_229 = arith.constant 0 : i32
        %dma_start3A_230 = tpu.memref_slice %arg18[%dma_start3A_228, %dma_start3A_229] : memref<10112x128xf32, #tpu.memory_space<vmem_shared>> -> memref<10112x128xf32, #tpu.memory_space<vmem_shared>>
        tpu.enqueue_indirect_dma source(%arg15 : memref<80x128xf32, #tpu.memory_space<vmem>>) target(%dma_start3A_230 : memref<10112x128xf32, #tpu.memory_space<vmem_shared>>) offsets(%arg12 : memref<80xi32, #tpu.memory_space<vmem>>) semaphore(%arg22 : memref<!tpu.dma_semaphore, #tpu.memory_space<semaphore_mem>>) {add = true}
        %ge3A = arith.constant 1 : i32
        %ge3A_231 = arith.cmpi sge, %add3A_182, %ge3A : i32
        %convert_element_type3A_232 = arith.extui %ge3A_231 : i1 to i32
        %cond3A_233 = arith.constant 0 : i32
        %cond3A_234 = arith.cmpi ne, %convert_element_type3A_232, %cond3A_233 : i32
        scf.if %cond3A_234 {
          %dma_wait3A_242 = arith.constant 0 : i32
          %dma_wait3A_243 = arith.constant 0 : i32
          %dma_wait3A_244 = tpu.memref_slice %arg18[%dma_wait3A_242, %dma_wait3A_243] : memref<10112x128xf32, #tpu.memory_space<vmem_shared>> -> memref<10112x128xf32, #tpu.memory_space<vmem_shared>>
          tpu.wait_indirect_dma semaphore(%arg24 : memref<!tpu.dma_semaphore, #tpu.memory_space<semaphore_mem>>) src(%arg17 : memref<80x128xf32, #tpu.memory_space<vmem>>) dst(%dma_wait3A_244 : memref<10112x128xf32, #tpu.memory_space<vmem_shared>>)
        } else {
        }
        %add3A_235 = arith.constant 2 : i32
        %add3A_236 = arith.addi %add3A_182, %add3A_235 : i32
        %lt3A_237 = arith.constant 125 : i32
        %lt3A_238 = arith.cmpi slt, %add3A_236, %lt3A_237 : i32
        %convert_element_type3A_239 = arith.extui %lt3A_238 : i1 to i32
        %cond3A_240 = arith.constant 0 : i32
        %cond3A_241 = arith.cmpi ne, %convert_element_type3A_239, %cond3A_240 : i32
        scf.if %cond3A_241 {
          %dma_start3A_242 = arith.constant 0 : i32
          %dma_start3A_243 = tpu.memref_slice %arg3[%add3A, %min3A_187, %dma_start3A_242] : memref<32x125x80xi32, #tpu.memory_space<hbm>> -> memref<1x1x80xi32, #tpu.memory_space<hbm>>
          %dma_start3A_244 = tpu.memref_squeeze %dma_start3A_243 : memref<1x1x80xi32, #tpu.memory_space<hbm>> -> memref<80xi32, #tpu.memory_space<hbm>>
          %dma_start3A_245 = arith.constant 0 : i32
          %dma_start3A_246 = tpu.memref_slice %arg3[%add3A, %min3A_187, %dma_start3A_245] : memref<32x125x80xi32, #tpu.memory_space<hbm>> -> memref<1x1x80xi32, #tpu.memory_space<hbm>>
          %dma_start3A_247 = tpu.memref_squeeze %dma_start3A_246 : memref<1x1x80xi32, #tpu.memory_space<hbm>> -> memref<80xi32, #tpu.memory_space<hbm>>
          tpu.enqueue_dma source(%dma_start3A_247 : memref<80xi32, #tpu.memory_space<hbm>>) target(%arg14 : memref<80xi32, #tpu.memory_space<vmem>>) target_semaphore(%arg27 : memref<!tpu.dma_semaphore, #tpu.memory_space<semaphore_mem>>)
          %dma_start3A_248 = arith.constant 0 : i32
          %dma_start3A_249 = tpu.memref_slice %arg11[%min3A_187, %dma_start3A_248] : memref<125x80xi32, #tpu.memory_space<vmem>> -> memref<1x80xi32, #tpu.memory_space<vmem>>
          %dma_start3A_250 = tpu.memref_squeeze %dma_start3A_249 : memref<1x80xi32, #tpu.memory_space<vmem>> -> memref<80xi32, #tpu.memory_space<vmem>>
          %dma_start3A_251 = arith.constant 0 : i32
          %dma_start3A_252 = arith.constant 0 : i32
          %dma_start3A_253 = tpu.memref_slice %arg5[%dma_start3A_251, %dma_start3A_252] : memref<10000x128xf32, #tpu.memory_space<hbm>> -> memref<10000x128xf32, #tpu.memory_space<hbm>>
          tpu.enqueue_indirect_dma source(%dma_start3A_253 : memref<10000x128xf32, #tpu.memory_space<hbm>>) target(%arg17 : memref<80x128xf32, #tpu.memory_space<vmem>>) offsets(%dma_start3A_250 : memref<80xi32, #tpu.memory_space<vmem>>) semaphore(%arg21 : memref<!tpu.dma_semaphore, #tpu.memory_space<semaphore_mem>>)
        } else {
        }
      } else {
      }
      %add3A_190 = arith.constant 1 : i32
      %add3A_191 = arith.addi %add3A_180, %add3A_190 : i32
      %min3A_192 = arith.constant 124 : i32
      %min3A_193 = arith.minsi %add3A_191, %min3A_192 : i32
      %add3A_194 = arith.constant 2 : i32
      %add3A_195 = arith.addi %add3A_191, %add3A_194 : i32
      %min3A_196 = arith.constant 124 : i32
      %min3A_197 = arith.minsi %add3A_195, %min3A_196 : i32
      %lt3A_198 = arith.constant 125 : i32
      %lt3A_199 = arith.cmpi slt, %add3A_191, %lt3A_198 : i32
      %convert_element_type3A_200 = arith.extui %lt3A_199 : i1 to i32
      %cond3A_201 = arith.constant 0 : i32
      %cond3A_202 = arith.cmpi ne, %convert_element_type3A_200, %cond3A_201 : i32
      scf.if %cond3A_202 {
        %dma_wait3A_216 = arith.constant 0 : i32
        %dma_wait3A_217 = tpu.memref_slice %arg3[%add3A, %min3A_193, %dma_wait3A_216] : memref<32x125x80xi32, #tpu.memory_space<hbm>> -> memref<1x1x80xi32, #tpu.memory_space<hbm>>
        %dma_wait3A_218 = tpu.memref_squeeze %dma_wait3A_217 : memref<1x1x80xi32, #tpu.memory_space<hbm>> -> memref<80xi32, #tpu.memory_space<hbm>>
        %dma_wait3A_219 = arith.constant 0 : i32
        %dma_wait3A_220 = tpu.memref_slice %arg3[%add3A, %min3A_193, %dma_wait3A_219] : memref<32x125x80xi32, #tpu.memory_space<hbm>> -> memref<1x1x80xi32, #tpu.memory_space<hbm>>
        %dma_wait3A_221 = tpu.memref_squeeze %dma_wait3A_220 : memref<1x1x80xi32, #tpu.memory_space<hbm>> -> memref<80xi32, #tpu.memory_space<hbm>>
        tpu.wait_dma2 semaphore(%arg26 : memref<!tpu.dma_semaphore, #tpu.memory_space<semaphore_mem>>) src(%dma_wait3A_221 : memref<80xi32, #tpu.memory_space<hbm>>) dst(%arg13 : memref<80xi32, #tpu.memory_space<vmem>>)
        %dma_wait3A_222 = arith.constant 0 : i32
        %dma_wait3A_223 = tpu.memref_slice %arg11[%min3A_193, %dma_wait3A_222] : memref<125x80xi32, #tpu.memory_space<vmem>> -> memref<1x80xi32, #tpu.memory_space<vmem>>
        %dma_wait3A_224 = tpu.memref_squeeze %dma_wait3A_223 : memref<1x80xi32, #tpu.memory_space<vmem>> -> memref<80xi32, #tpu.memory_space<vmem>>
        %dma_wait3A_225 = arith.constant 0 : i32
        %dma_wait3A_226 = arith.constant 0 : i32
        %dma_wait3A_227 = tpu.memref_slice %arg5[%dma_wait3A_225, %dma_wait3A_226] : memref<10000x128xf32, #tpu.memory_space<hbm>> -> memref<10000x128xf32, #tpu.memory_space<hbm>>
        tpu.wait_indirect_dma semaphore(%arg20 : memref<!tpu.dma_semaphore, #tpu.memory_space<semaphore_mem>>) src(%dma_wait3A_227 : memref<10000x128xf32, #tpu.memory_space<hbm>>) dst(%arg16 : memref<80x128xf32, #tpu.memory_space<vmem>>)
        %dma_start3A_228 = arith.constant 0 : i32
        %dma_start3A_229 = arith.constant 0 : i32
        %dma_start3A_230 = tpu.memref_slice %arg18[%dma_start3A_228, %dma_start3A_229] : memref<10112x128xf32, #tpu.memory_space<vmem_shared>> -> memref<10112x128xf32, #tpu.memory_space<vmem_shared>>
        tpu.enqueue_indirect_dma source(%arg16 : memref<80x128xf32, #tpu.memory_space<vmem>>) target(%dma_start3A_230 : memref<10112x128xf32, #tpu.memory_space<vmem_shared>>) offsets(%arg13 : memref<80xi32, #tpu.memory_space<vmem>>) semaphore(%arg23 : memref<!tpu.dma_semaphore, #tpu.memory_space<semaphore_mem>>) {add = true}
        %ge3A = arith.constant 1 : i32
        %ge3A_231 = arith.cmpi sge, %add3A_191, %ge3A : i32
        %convert_element_type3A_232 = arith.extui %ge3A_231 : i1 to i32
        %cond3A_233 = arith.constant 0 : i32
        %cond3A_234 = arith.cmpi ne, %convert_element_type3A_232, %cond3A_233 : i32
        scf.if %cond3A_234 {
          %dma_wait3A_242 = arith.constant 0 : i32
          %dma_wait3A_243 = arith.constant 0 : i32
          %dma_wait3A_244 = tpu.memref_slice %arg18[%dma_wait3A_242, %dma_wait3A_243] : memref<10112x128xf32, #tpu.memory_space<vmem_shared>> -> memref<10112x128xf32, #tpu.memory_space<vmem_shared>>
          tpu.wait_indirect_dma semaphore(%arg22 : memref<!tpu.dma_semaphore, #tpu.memory_space<semaphore_mem>>) src(%arg15 : memref<80x128xf32, #tpu.memory_space<vmem>>) dst(%dma_wait3A_244 : memref<10112x128xf32, #tpu.memory_space<vmem_shared>>)
        } else {
        }
        %add3A_235 = arith.constant 2 : i32
        %add3A_236 = arith.addi %add3A_191, %add3A_235 : i32
        %lt3A_237 = arith.constant 125 : i32
        %lt3A_238 = arith.cmpi slt, %add3A_236, %lt3A_237 : i32
        %convert_element_type3A_239 = arith.extui %lt3A_238 : i1 to i32
        %cond3A_240 = arith.constant 0 : i32
        %cond3A_241 = arith.cmpi ne, %convert_element_type3A_239, %cond3A_240 : i32
        scf.if %cond3A_241 {
          %dma_start3A_242 = arith.constant 0 : i32
          %dma_start3A_243 = tpu.memref_slice %arg3[%add3A, %min3A_197, %dma_start3A_242] : memref<32x125x80xi32, #tpu.memory_space<hbm>> -> memref<1x1x80xi32, #tpu.memory_space<hbm>>
          %dma_start3A_244 = tpu.memref_squeeze %dma_start3A_243 : memref<1x1x80xi32, #tpu.memory_space<hbm>> -> memref<80xi32, #tpu.memory_space<hbm>>
          %dma_start3A_245 = arith.constant 0 : i32
          %dma_start3A_246 = tpu.memref_slice %arg3[%add3A, %min3A_197, %dma_start3A_245] : memref<32x125x80xi32, #tpu.memory_space<hbm>> -> memref<1x1x80xi32, #tpu.memory_space<hbm>>
          %dma_start3A_247 = tpu.memref_squeeze %dma_start3A_246 : memref<1x1x80xi32, #tpu.memory_space<hbm>> -> memref<80xi32, #tpu.memory_space<hbm>>
          tpu.enqueue_dma source(%dma_start3A_247 : memref<80xi32, #tpu.memory_space<hbm>>) target(%arg12 : memref<80xi32, #tpu.memory_space<vmem>>) target_semaphore(%arg25 : memref<!tpu.dma_semaphore, #tpu.memory_space<semaphore_mem>>)
          %dma_start3A_248 = arith.constant 0 : i32
          %dma_start3A_249 = tpu.memref_slice %arg11[%min3A_197, %dma_start3A_248] : memref<125x80xi32, #tpu.memory_space<vmem>> -> memref<1x80xi32, #tpu.memory_space<vmem>>
          %dma_start3A_250 = tpu.memref_squeeze %dma_start3A_249 : memref<1x80xi32, #tpu.memory_space<vmem>> -> memref<80xi32, #tpu.memory_space<vmem>>
          %dma_start3A_251 = arith.constant 0 : i32
          %dma_start3A_252 = arith.constant 0 : i32
          %dma_start3A_253 = tpu.memref_slice %arg5[%dma_start3A_251, %dma_start3A_252] : memref<10000x128xf32, #tpu.memory_space<hbm>> -> memref<10000x128xf32, #tpu.memory_space<hbm>>
          tpu.enqueue_indirect_dma source(%dma_start3A_253 : memref<10000x128xf32, #tpu.memory_space<hbm>>) target(%arg15 : memref<80x128xf32, #tpu.memory_space<vmem>>) offsets(%dma_start3A_250 : memref<80xi32, #tpu.memory_space<vmem>>) semaphore(%arg19 : memref<!tpu.dma_semaphore, #tpu.memory_space<semaphore_mem>>)
        } else {
        }
      } else {
      }
      %add3A_203 = arith.constant 2 : i32
      %add3A_204 = arith.addi %add3A_180, %add3A_203 : i32
      %min3A_205 = arith.constant 124 : i32
      %min3A_206 = arith.minsi %add3A_204, %min3A_205 : i32
      %add3A_207 = arith.constant 2 : i32
      %add3A_208 = arith.addi %add3A_204, %add3A_207 : i32
      %min3A_209 = arith.constant 124 : i32
      %min3A_210 = arith.minsi %add3A_208, %min3A_209 : i32
      %lt3A_211 = arith.constant 125 : i32
      %lt3A_212 = arith.cmpi slt, %add3A_204, %lt3A_211 : i32
      %convert_element_type3A_213 = arith.extui %lt3A_212 : i1 to i32
      %cond3A_214 = arith.constant 0 : i32
      %cond3A_215 = arith.cmpi ne, %convert_element_type3A_213, %cond3A_214 : i32
      scf.if %cond3A_215 {
        %dma_wait3A_216 = arith.constant 0 : i32
        %dma_wait3A_217 = tpu.memref_slice %arg3[%add3A, %min3A_206, %dma_wait3A_216] : memref<32x125x80xi32, #tpu.memory_space<hbm>> -> memref<1x1x80xi32, #tpu.memory_space<hbm>>
        %dma_wait3A_218 = tpu.memref_squeeze %dma_wait3A_217 : memref<1x1x80xi32, #tpu.memory_space<hbm>> -> memref<80xi32, #tpu.memory_space<hbm>>
        %dma_wait3A_219 = arith.constant 0 : i32
        %dma_wait3A_220 = tpu.memref_slice %arg3[%add3A, %min3A_206, %dma_wait3A_219] : memref<32x125x80xi32, #tpu.memory_space<hbm>> -> memref<1x1x80xi32, #tpu.memory_space<hbm>>
        %dma_wait3A_221 = tpu.memref_squeeze %dma_wait3A_220 : memref<1x1x80xi32, #tpu.memory_space<hbm>> -> memref<80xi32, #tpu.memory_space<hbm>>
        tpu.wait_dma2 semaphore(%arg27 : memref<!tpu.dma_semaphore, #tpu.memory_space<semaphore_mem>>) src(%dma_wait3A_221 : memref<80xi32, #tpu.memory_space<hbm>>) dst(%arg14 : memref<80xi32, #tpu.memory_space<vmem>>)
        %dma_wait3A_222 = arith.constant 0 : i32
        %dma_wait3A_223 = tpu.memref_slice %arg11[%min3A_206, %dma_wait3A_222] : memref<125x80xi32, #tpu.memory_space<vmem>> -> memref<1x80xi32, #tpu.memory_space<vmem>>
        %dma_wait3A_224 = tpu.memref_squeeze %dma_wait3A_223 : memref<1x80xi32, #tpu.memory_space<vmem>> -> memref<80xi32, #tpu.memory_space<vmem>>
        %dma_wait3A_225 = arith.constant 0 : i32
        %dma_wait3A_226 = arith.constant 0 : i32
        %dma_wait3A_227 = tpu.memref_slice %arg5[%dma_wait3A_225, %dma_wait3A_226] : memref<10000x128xf32, #tpu.memory_space<hbm>> -> memref<10000x128xf32, #tpu.memory_space<hbm>>
        tpu.wait_indirect_dma semaphore(%arg21 : memref<!tpu.dma_semaphore, #tpu.memory_space<semaphore_mem>>) src(%dma_wait3A_227 : memref<10000x128xf32, #tpu.memory_space<hbm>>) dst(%arg17 : memref<80x128xf32, #tpu.memory_space<vmem>>)
        %dma_start3A_228 = arith.constant 0 : i32
        %dma_start3A_229 = arith.constant 0 : i32
        %dma_start3A_230 = tpu.memref_slice %arg18[%dma_start3A_228, %dma_start3A_229] : memref<10112x128xf32, #tpu.memory_space<vmem_shared>> -> memref<10112x128xf32, #tpu.memory_space<vmem_shared>>
        tpu.enqueue_indirect_dma source(%arg17 : memref<80x128xf32, #tpu.memory_space<vmem>>) target(%dma_start3A_230 : memref<10112x128xf32, #tpu.memory_space<vmem_shared>>) offsets(%arg14 : memref<80xi32, #tpu.memory_space<vmem>>) semaphore(%arg24 : memref<!tpu.dma_semaphore, #tpu.memory_space<semaphore_mem>>) {add = true}
        %ge3A = arith.constant 1 : i32
        %ge3A_231 = arith.cmpi sge, %add3A_204, %ge3A : i32
        %convert_element_type3A_232 = arith.extui %ge3A_231 : i1 to i32
        %cond3A_233 = arith.constant 0 : i32
        %cond3A_234 = arith.cmpi ne, %convert_element_type3A_232, %cond3A_233 : i32
        scf.if %cond3A_234 {
          %dma_wait3A_242 = arith.constant 0 : i32
          %dma_wait3A_243 = arith.constant 0 : i32
          %dma_wait3A_244 = tpu.memref_slice %arg18[%dma_wait3A_242, %dma_wait3A_243] : memref<10112x128xf32, #tpu.memory_space<vmem_shared>> -> memref<10112x128xf32, #tpu.memory_space<vmem_shared>>
          tpu.wait_indirect_dma semaphore(%arg23 : memref<!tpu.dma_semaphore, #tpu.memory_space<semaphore_mem>>) src(%arg16 : memref<80x128xf32, #tpu.memory_space<vmem>>) dst(%dma_wait3A_244 : memref<10112x128xf32, #tpu.memory_space<vmem_shared>>)
        } else {
        }
        %add3A_235 = arith.constant 2 : i32
        %add3A_236 = arith.addi %add3A_204, %add3A_235 : i32
        %lt3A_237 = arith.constant 125 : i32
        %lt3A_238 = arith.cmpi slt, %add3A_236, %lt3A_237 : i32
        %convert_element_type3A_239 = arith.extui %lt3A_238 : i1 to i32
        %cond3A_240 = arith.constant 0 : i32
        %cond3A_241 = arith.cmpi ne, %convert_element_type3A_239, %cond3A_240 : i32
        scf.if %cond3A_241 {
          %dma_start3A_242 = arith.constant 0 : i32
          %dma_start3A_243 = tpu.memref_slice %arg3[%add3A, %min3A_210, %dma_start3A_242] : memref<32x125x80xi32, #tpu.memory_space<hbm>> -> memref<1x1x80xi32, #tpu.memory_space<hbm>>
          %dma_start3A_244 = tpu.memref_squeeze %dma_start3A_243 : memref<1x1x80xi32, #tpu.memory_space<hbm>> -> memref<80xi32, #tpu.memory_space<hbm>>
          %dma_start3A_245 = arith.constant 0 : i32
          %dma_start3A_246 = tpu.memref_slice %arg3[%add3A, %min3A_210, %dma_start3A_245] : memref<32x125x80xi32, #tpu.memory_space<hbm>> -> memref<1x1x80xi32, #tpu.memory_space<hbm>>
          %dma_start3A_247 = tpu.memref_squeeze %dma_start3A_246 : memref<1x1x80xi32, #tpu.memory_space<hbm>> -> memref<80xi32, #tpu.memory_space<hbm>>
          tpu.enqueue_dma source(%dma_start3A_247 : memref<80xi32, #tpu.memory_space<hbm>>) target(%arg13 : memref<80xi32, #tpu.memory_space<vmem>>) target_semaphore(%arg26 : memref<!tpu.dma_semaphore, #tpu.memory_space<semaphore_mem>>)
          %dma_start3A_248 = arith.constant 0 : i32
          %dma_start3A_249 = tpu.memref_slice %arg11[%min3A_210, %dma_start3A_248] : memref<125x80xi32, #tpu.memory_space<vmem>> -> memref<1x80xi32, #tpu.memory_space<vmem>>
          %dma_start3A_250 = tpu.memref_squeeze %dma_start3A_249 : memref<1x80xi32, #tpu.memory_space<vmem>> -> memref<80xi32, #tpu.memory_space<vmem>>
          %dma_start3A_251 = arith.constant 0 : i32
          %dma_start3A_252 = arith.constant 0 : i32
          %dma_start3A_253 = tpu.memref_slice %arg5[%dma_start3A_251, %dma_start3A_252] : memref<10000x128xf32, #tpu.memory_space<hbm>> -> memref<10000x128xf32, #tpu.memory_space<hbm>>
          tpu.enqueue_indirect_dma source(%dma_start3A_253 : memref<10000x128xf32, #tpu.memory_space<hbm>>) target(%arg16 : memref<80x128xf32, #tpu.memory_space<vmem>>) offsets(%dma_start3A_250 : memref<80xi32, #tpu.memory_space<vmem>>) semaphore(%arg20 : memref<!tpu.dma_semaphore, #tpu.memory_space<semaphore_mem>>)
        } else {
        }
      } else {
      }
    }
    %scan3A_70 = arith.constant 42 : i32
    %dma_wait3A_71 = arith.constant 0 : i32
    %dma_wait3A_72 = arith.constant 0 : i32
    %dma_wait3A_73 = tpu.memref_slice %arg18[%dma_wait3A_71, %dma_wait3A_72] : memref<10112x128xf32, #tpu.memory_space<vmem_shared>> -> memref<10112x128xf32, #tpu.memory_space<vmem_shared>>
    tpu.wait_indirect_dma semaphore(%arg23 : memref<!tpu.dma_semaphore, #tpu.memory_space<semaphore_mem>>) src(%arg16 : memref<80x128xf32, #tpu.memory_space<vmem>>) dst(%dma_wait3A_73 : memref<10112x128xf32, #tpu.memory_space<vmem_shared>>)
    %barrier3A_74 = arith.constant 0 : index
    tpu.barrier barrier_id(%barrier3A_74)
    %run_scoped3A_75 = arith.constant 1 : i32
    "tpu.region"() ({
      %run_scoped3A_176 = tpu.sem_alloc : memref<!tpu.dma_semaphore, #tpu.memory_space<semaphore_mem>>
      %dma_start3A_177 = arith.constant 0 : i32
      %dma_start3A_178 = tpu.memref_slice %arg10[%run_scoped3A_75, %arg0, %multiple_of3A, %dma_start3A_177] : memref<5x2x10112x128xf32, #tpu.memory_space<hbm>> -> memref<1x1x632x128xf32, #tpu.memory_space<hbm>>
      %dma_start3A_179 = tpu.memref_squeeze %dma_start3A_178 : memref<1x1x632x128xf32, #tpu.memory_space<hbm>> -> memref<632x128xf32, #tpu.memory_space<hbm>>
      %dma_start3A_180 = arith.constant 0 : i32
      %dma_start3A_181 = tpu.memref_slice %arg18[%multiple_of3A, %dma_start3A_180] : memref<10112x128xf32, #tpu.memory_space<vmem_shared>> -> memref<632x128xf32, #tpu.memory_space<vmem_shared>>
      tpu.enqueue_dma source(%dma_start3A_181 : memref<632x128xf32, #tpu.memory_space<vmem_shared>>) target(%dma_start3A_179 : memref<632x128xf32, #tpu.memory_space<hbm>>) target_semaphore(%run_scoped3A_176 : memref<!tpu.dma_semaphore, #tpu.memory_space<semaphore_mem>>)
      %dma_wait3A_182 = arith.constant 0 : i32
      %dma_wait3A_183 = tpu.memref_slice %arg10[%run_scoped3A_75, %arg0, %multiple_of3A, %dma_wait3A_182] : memref<5x2x10112x128xf32, #tpu.memory_space<hbm>> -> memref<1x1x632x128xf32, #tpu.memory_space<hbm>>
      %dma_wait3A_184 = tpu.memref_squeeze %dma_wait3A_183 : memref<1x1x632x128xf32, #tpu.memory_space<hbm>> -> memref<632x128xf32, #tpu.memory_space<hbm>>
      %dma_wait3A_185 = arith.constant 0 : i32
      %dma_wait3A_186 = tpu.memref_slice %arg18[%multiple_of3A, %dma_wait3A_185] : memref<10112x128xf32, #tpu.memory_space<vmem_shared>> -> memref<632x128xf32, #tpu.memory_space<vmem_shared>>
      tpu.wait_dma2 semaphore(%run_scoped3A_176 : memref<!tpu.dma_semaphore, #tpu.memory_space<semaphore_mem>>) src(%dma_wait3A_186 : memref<632x128xf32, #tpu.memory_space<vmem_shared>>) dst(%dma_wait3A_184 : memref<632x128xf32, #tpu.memory_space<hbm>>)
      tpu.yield
    }) : () -> ()
    "tpu.region"() ({
      %run_scoped3A_176 = tpu.sem_alloc : memref<!tpu.dma_semaphore, #tpu.memory_space<semaphore_mem>>
      %dma_start3A_177 = arith.constant 0 : i32
      %dma_start3A_178 = tpu.memref_slice %arg18[%multiple_of3A, %dma_start3A_177] : memref<10112x128xf32, #tpu.memory_space<vmem_shared>> -> memref<632x128xf32, #tpu.memory_space<vmem_shared>>
      tpu.enqueue_dma source(%arg8 : memref<632x128xf32, #tpu.memory_space<hbm>>) target(%dma_start3A_178 : memref<632x128xf32, #tpu.memory_space<vmem_shared>>) target_semaphore(%run_scoped3A_176 : memref<!tpu.dma_semaphore, #tpu.memory_space<semaphore_mem>>)
      %dma_wait3A_179 = arith.constant 0 : i32
      %dma_wait3A_180 = tpu.memref_slice %arg18[%multiple_of3A, %dma_wait3A_179] : memref<10112x128xf32, #tpu.memory_space<vmem_shared>> -> memref<632x128xf32, #tpu.memory_space<vmem_shared>>
      tpu.wait_dma2 semaphore(%run_scoped3A_176 : memref<!tpu.dma_semaphore, #tpu.memory_space<semaphore_mem>>) src(%arg8 : memref<632x128xf32, #tpu.memory_space<hbm>>) dst(%dma_wait3A_180 : memref<632x128xf32, #tpu.memory_space<vmem_shared>>)
      tpu.yield
    }) : () -> ()
    %barrier3A_76 = arith.constant 0 : index
    tpu.barrier barrier_id(%barrier3A_76)
    %dma_start3A_77 = arith.constant 0 : i32
    %dma_start3A_78 = arith.constant 0 : i32
    %dma_start3A_79 = tpu.memref_slice %arg3[%add3A, %dma_start3A_77, %dma_start3A_78] : memref<32x125x80xi32, #tpu.memory_space<hbm>> -> memref<1x1x80xi32, #tpu.memory_space<hbm>>
    %dma_start3A_80 = tpu.memref_squeeze %dma_start3A_79 : memref<1x1x80xi32, #tpu.memory_space<hbm>> -> memref<80xi32, #tpu.memory_space<hbm>>
    %dma_start3A_81 = arith.constant 0 : i32
    %dma_start3A_82 = tpu.memref_slice %arg3[%add3A, %dma_start3A_77, %dma_start3A_81] : memref<32x125x80xi32, #tpu.memory_space<hbm>> -> memref<1x1x80xi32, #tpu.memory_space<hbm>>
    %dma_start3A_83 = tpu.memref_squeeze %dma_start3A_82 : memref<1x1x80xi32, #tpu.memory_space<hbm>> -> memref<80xi32, #tpu.memory_space<hbm>>
    tpu.enqueue_dma source(%dma_start3A_83 : memref<80xi32, #tpu.memory_space<hbm>>) target(%arg12 : memref<80xi32, #tpu.memory_space<vmem>>) target_semaphore(%arg25 : memref<!tpu.dma_semaphore, #tpu.memory_space<semaphore_mem>>)
    %dma_start3A_84 = arith.constant 1 : i32
    %dma_start3A_85 = arith.constant 0 : i32
    %dma_start3A_86 = tpu.memref_slice %arg3[%add3A, %dma_start3A_84, %dma_start3A_85] : memref<32x125x80xi32, #tpu.memory_space<hbm>> -> memref<1x1x80xi32, #tpu.memory_space<hbm>>
    %dma_start3A_87 = tpu.memref_squeeze %dma_start3A_86 : memref<1x1x80xi32, #tpu.memory_space<hbm>> -> memref<80xi32, #tpu.memory_space<hbm>>
    %dma_start3A_88 = arith.constant 0 : i32
    %dma_start3A_89 = tpu.memref_slice %arg3[%add3A, %dma_start3A_84, %dma_start3A_88] : memref<32x125x80xi32, #tpu.memory_space<hbm>> -> memref<1x1x80xi32, #tpu.memory_space<hbm>>
    %dma_start3A_90 = tpu.memref_squeeze %dma_start3A_89 : memref<1x1x80xi32, #tpu.memory_space<hbm>> -> memref<80xi32, #tpu.memory_space<hbm>>
    tpu.enqueue_dma source(%dma_start3A_90 : memref<80xi32, #tpu.memory_space<hbm>>) target(%arg13 : memref<80xi32, #tpu.memory_space<vmem>>) target_semaphore(%arg26 : memref<!tpu.dma_semaphore, #tpu.memory_space<semaphore_mem>>)
    %dma_start3A_91 = arith.constant 0 : i32
    %dma_start3A_92 = arith.constant 0 : i32
    %dma_start3A_93 = tpu.memref_slice %arg11[%dma_start3A_91, %dma_start3A_92] : memref<125x80xi32, #tpu.memory_space<vmem>> -> memref<1x80xi32, #tpu.memory_space<vmem>>
    %dma_start3A_94 = tpu.memref_squeeze %dma_start3A_93 : memref<1x80xi32, #tpu.memory_space<vmem>> -> memref<80xi32, #tpu.memory_space<vmem>>
    %dma_start3A_95 = arith.constant 0 : i32
    %dma_start3A_96 = arith.constant 0 : i32
    %dma_start3A_97 = tpu.memref_slice %arg6[%dma_start3A_95, %dma_start3A_96] : memref<10000x128xf32, #tpu.memory_space<hbm>> -> memref<10000x128xf32, #tpu.memory_space<hbm>>
    tpu.enqueue_indirect_dma source(%dma_start3A_97 : memref<10000x128xf32, #tpu.memory_space<hbm>>) target(%arg15 : memref<80x128xf32, #tpu.memory_space<vmem>>) offsets(%dma_start3A_94 : memref<80xi32, #tpu.memory_space<vmem>>) semaphore(%arg19 : memref<!tpu.dma_semaphore, #tpu.memory_space<semaphore_mem>>)
    %dma_start3A_98 = arith.constant 1 : i32
    %dma_start3A_99 = arith.constant 0 : i32
    %dma_start3A_100 = tpu.memref_slice %arg11[%dma_start3A_98, %dma_start3A_99] : memref<125x80xi32, #tpu.memory_space<vmem>> -> memref<1x80xi32, #tpu.memory_space<vmem>>
    %dma_start3A_101 = tpu.memref_squeeze %dma_start3A_100 : memref<1x80xi32, #tpu.memory_space<vmem>> -> memref<80xi32, #tpu.memory_space<vmem>>
    %dma_start3A_102 = arith.constant 0 : i32
    %dma_start3A_103 = arith.constant 0 : i32
    %dma_start3A_104 = tpu.memref_slice %arg6[%dma_start3A_102, %dma_start3A_103] : memref<10000x128xf32, #tpu.memory_space<hbm>> -> memref<10000x128xf32, #tpu.memory_space<hbm>>
    tpu.enqueue_indirect_dma source(%dma_start3A_104 : memref<10000x128xf32, #tpu.memory_space<hbm>>) target(%arg16 : memref<80x128xf32, #tpu.memory_space<vmem>>) offsets(%dma_start3A_101 : memref<80xi32, #tpu.memory_space<vmem>>) semaphore(%arg20 : memref<!tpu.dma_semaphore, #tpu.memory_space<semaphore_mem>>)
    %scan3A_105 = arith.constant 0 : i32
    %scan3A_106 = arith.constant 42 : i32
    %scan3A_107 = arith.addi %scan3A_105, %scan3A_106 : i32
    %scan3A_108 = arith.constant 1 : i32
    scf.for %scan3A_176 = %scan3A_105 to %scan3A_107 step %scan3A_108  : i32 {
      %mul3A_177 = arith.constant 3 : i32
      %mul3A_178 = arith.muli %scan3A_176, %mul3A_177 : i32
      %add3A_179 = arith.constant 0 : i32
      %add3A_180 = arith.addi %add3A_179, %mul3A_178 : i32
      %add3A_181 = arith.constant 0 : i32
      %add3A_182 = arith.addi %add3A_180, %add3A_181 : i32
      %min3A = arith.constant 124 : i32
      %min3A_183 = arith.minsi %add3A_182, %min3A : i32
      %add3A_184 = arith.constant 2 : i32
      %add3A_185 = arith.addi %add3A_182, %add3A_184 : i32
      %min3A_186 = arith.constant 124 : i32
      %min3A_187 = arith.minsi %add3A_185, %min3A_186 : i32
      %lt3A = arith.constant 125 : i32
      %lt3A_188 = arith.cmpi slt, %add3A_182, %lt3A : i32
      %convert_element_type3A = arith.extui %lt3A_188 : i1 to i32
      %cond3A = arith.constant 0 : i32
      %cond3A_189 = arith.cmpi ne, %convert_element_type3A, %cond3A : i32
      scf.if %cond3A_189 {
        %dma_wait3A_216 = arith.constant 0 : i32
        %dma_wait3A_217 = tpu.memref_slice %arg3[%add3A, %min3A_183, %dma_wait3A_216] : memref<32x125x80xi32, #tpu.memory_space<hbm>> -> memref<1x1x80xi32, #tpu.memory_space<hbm>>
        %dma_wait3A_218 = tpu.memref_squeeze %dma_wait3A_217 : memref<1x1x80xi32, #tpu.memory_space<hbm>> -> memref<80xi32, #tpu.memory_space<hbm>>
        %dma_wait3A_219 = arith.constant 0 : i32
        %dma_wait3A_220 = tpu.memref_slice %arg3[%add3A, %min3A_183, %dma_wait3A_219] : memref<32x125x80xi32, #tpu.memory_space<hbm>> -> memref<1x1x80xi32, #tpu.memory_space<hbm>>
        %dma_wait3A_221 = tpu.memref_squeeze %dma_wait3A_220 : memref<1x1x80xi32, #tpu.memory_space<hbm>> -> memref<80xi32, #tpu.memory_space<hbm>>
        tpu.wait_dma2 semaphore(%arg25 : memref<!tpu.dma_semaphore, #tpu.memory_space<semaphore_mem>>) src(%dma_wait3A_221 : memref<80xi32, #tpu.memory_space<hbm>>) dst(%arg12 : memref<80xi32, #tpu.memory_space<vmem>>)
        %dma_wait3A_222 = arith.constant 0 : i32
        %dma_wait3A_223 = tpu.memref_slice %arg11[%min3A_183, %dma_wait3A_222] : memref<125x80xi32, #tpu.memory_space<vmem>> -> memref<1x80xi32, #tpu.memory_space<vmem>>
        %dma_wait3A_224 = tpu.memref_squeeze %dma_wait3A_223 : memref<1x80xi32, #tpu.memory_space<vmem>> -> memref<80xi32, #tpu.memory_space<vmem>>
        %dma_wait3A_225 = arith.constant 0 : i32
        %dma_wait3A_226 = arith.constant 0 : i32
        %dma_wait3A_227 = tpu.memref_slice %arg6[%dma_wait3A_225, %dma_wait3A_226] : memref<10000x128xf32, #tpu.memory_space<hbm>> -> memref<10000x128xf32, #tpu.memory_space<hbm>>
        tpu.wait_indirect_dma semaphore(%arg19 : memref<!tpu.dma_semaphore, #tpu.memory_space<semaphore_mem>>) src(%dma_wait3A_227 : memref<10000x128xf32, #tpu.memory_space<hbm>>) dst(%arg15 : memref<80x128xf32, #tpu.memory_space<vmem>>)
        %dma_start3A_228 = arith.constant 0 : i32
        %dma_start3A_229 = arith.constant 0 : i32
        %dma_start3A_230 = tpu.memref_slice %arg18[%dma_start3A_228, %dma_start3A_229] : memref<10112x128xf32, #tpu.memory_space<vmem_shared>> -> memref<10112x128xf32, #tpu.memory_space<vmem_shared>>
        tpu.enqueue_indirect_dma source(%arg15 : memref<80x128xf32, #tpu.memory_space<vmem>>) target(%dma_start3A_230 : memref<10112x128xf32, #tpu.memory_space<vmem_shared>>) offsets(%arg12 : memref<80xi32, #tpu.memory_space<vmem>>) semaphore(%arg22 : memref<!tpu.dma_semaphore, #tpu.memory_space<semaphore_mem>>) {add = true}
        %ge3A = arith.constant 1 : i32
        %ge3A_231 = arith.cmpi sge, %add3A_182, %ge3A : i32
        %convert_element_type3A_232 = arith.extui %ge3A_231 : i1 to i32
        %cond3A_233 = arith.constant 0 : i32
        %cond3A_234 = arith.cmpi ne, %convert_element_type3A_232, %cond3A_233 : i32
        scf.if %cond3A_234 {
          %dma_wait3A_242 = arith.constant 0 : i32
          %dma_wait3A_243 = arith.constant 0 : i32
          %dma_wait3A_244 = tpu.memref_slice %arg18[%dma_wait3A_242, %dma_wait3A_243] : memref<10112x128xf32, #tpu.memory_space<vmem_shared>> -> memref<10112x128xf32, #tpu.memory_space<vmem_shared>>
          tpu.wait_indirect_dma semaphore(%arg24 : memref<!tpu.dma_semaphore, #tpu.memory_space<semaphore_mem>>) src(%arg17 : memref<80x128xf32, #tpu.memory_space<vmem>>) dst(%dma_wait3A_244 : memref<10112x128xf32, #tpu.memory_space<vmem_shared>>)
        } else {
        }
        %add3A_235 = arith.constant 2 : i32
        %add3A_236 = arith.addi %add3A_182, %add3A_235 : i32
        %lt3A_237 = arith.constant 125 : i32
        %lt3A_238 = arith.cmpi slt, %add3A_236, %lt3A_237 : i32
        %convert_element_type3A_239 = arith.extui %lt3A_238 : i1 to i32
        %cond3A_240 = arith.constant 0 : i32
        %cond3A_241 = arith.cmpi ne, %convert_element_type3A_239, %cond3A_240 : i32
        scf.if %cond3A_241 {
          %dma_start3A_242 = arith.constant 0 : i32
          %dma_start3A_243 = tpu.memref_slice %arg3[%add3A, %min3A_187, %dma_start3A_242] : memref<32x125x80xi32, #tpu.memory_space<hbm>> -> memref<1x1x80xi32, #tpu.memory_space<hbm>>
          %dma_start3A_244 = tpu.memref_squeeze %dma_start3A_243 : memref<1x1x80xi32, #tpu.memory_space<hbm>> -> memref<80xi32, #tpu.memory_space<hbm>>
          %dma_start3A_245 = arith.constant 0 : i32
          %dma_start3A_246 = tpu.memref_slice %arg3[%add3A, %min3A_187, %dma_start3A_245] : memref<32x125x80xi32, #tpu.memory_space<hbm>> -> memref<1x1x80xi32, #tpu.memory_space<hbm>>
          %dma_start3A_247 = tpu.memref_squeeze %dma_start3A_246 : memref<1x1x80xi32, #tpu.memory_space<hbm>> -> memref<80xi32, #tpu.memory_space<hbm>>
          tpu.enqueue_dma source(%dma_start3A_247 : memref<80xi32, #tpu.memory_space<hbm>>) target(%arg14 : memref<80xi32, #tpu.memory_space<vmem>>) target_semaphore(%arg27 : memref<!tpu.dma_semaphore, #tpu.memory_space<semaphore_mem>>)
          %dma_start3A_248 = arith.constant 0 : i32
          %dma_start3A_249 = tpu.memref_slice %arg11[%min3A_187, %dma_start3A_248] : memref<125x80xi32, #tpu.memory_space<vmem>> -> memref<1x80xi32, #tpu.memory_space<vmem>>
          %dma_start3A_250 = tpu.memref_squeeze %dma_start3A_249 : memref<1x80xi32, #tpu.memory_space<vmem>> -> memref<80xi32, #tpu.memory_space<vmem>>
          %dma_start3A_251 = arith.constant 0 : i32
          %dma_start3A_252 = arith.constant 0 : i32
          %dma_start3A_253 = tpu.memref_slice %arg6[%dma_start3A_251, %dma_start3A_252] : memref<10000x128xf32, #tpu.memory_space<hbm>> -> memref<10000x128xf32, #tpu.memory_space<hbm>>
          tpu.enqueue_indirect_dma source(%dma_start3A_253 : memref<10000x128xf32, #tpu.memory_space<hbm>>) target(%arg17 : memref<80x128xf32, #tpu.memory_space<vmem>>) offsets(%dma_start3A_250 : memref<80xi32, #tpu.memory_space<vmem>>) semaphore(%arg21 : memref<!tpu.dma_semaphore, #tpu.memory_space<semaphore_mem>>)
        } else {
        }
      } else {
      }
      %add3A_190 = arith.constant 1 : i32
      %add3A_191 = arith.addi %add3A_180, %add3A_190 : i32
      %min3A_192 = arith.constant 124 : i32
      %min3A_193 = arith.minsi %add3A_191, %min3A_192 : i32
      %add3A_194 = arith.constant 2 : i32
      %add3A_195 = arith.addi %add3A_191, %add3A_194 : i32
      %min3A_196 = arith.constant 124 : i32
      %min3A_197 = arith.minsi %add3A_195, %min3A_196 : i32
      %lt3A_198 = arith.constant 125 : i32
      %lt3A_199 = arith.cmpi slt, %add3A_191, %lt3A_198 : i32
      %convert_element_type3A_200 = arith.extui %lt3A_199 : i1 to i32
      %cond3A_201 = arith.constant 0 : i32
      %cond3A_202 = arith.cmpi ne, %convert_element_type3A_200, %cond3A_201 : i32
      scf.if %cond3A_202 {
        %dma_wait3A_216 = arith.constant 0 : i32
        %dma_wait3A_217 = tpu.memref_slice %arg3[%add3A, %min3A_193, %dma_wait3A_216] : memref<32x125x80xi32, #tpu.memory_space<hbm>> -> memref<1x1x80xi32, #tpu.memory_space<hbm>>
        %dma_wait3A_218 = tpu.memref_squeeze %dma_wait3A_217 : memref<1x1x80xi32, #tpu.memory_space<hbm>> -> memref<80xi32, #tpu.memory_space<hbm>>
        %dma_wait3A_219 = arith.constant 0 : i32
        %dma_wait3A_220 = tpu.memref_slice %arg3[%add3A, %min3A_193, %dma_wait3A_219] : memref<32x125x80xi32, #tpu.memory_space<hbm>> -> memref<1x1x80xi32, #tpu.memory_space<hbm>>
        %dma_wait3A_221 = tpu.memref_squeeze %dma_wait3A_220 : memref<1x1x80xi32, #tpu.memory_space<hbm>> -> memref<80xi32, #tpu.memory_space<hbm>>
        tpu.wait_dma2 semaphore(%arg26 : memref<!tpu.dma_semaphore, #tpu.memory_space<semaphore_mem>>) src(%dma_wait3A_221 : memref<80xi32, #tpu.memory_space<hbm>>) dst(%arg13 : memref<80xi32, #tpu.memory_space<vmem>>)
        %dma_wait3A_222 = arith.constant 0 : i32
        %dma_wait3A_223 = tpu.memref_slice %arg11[%min3A_193, %dma_wait3A_222] : memref<125x80xi32, #tpu.memory_space<vmem>> -> memref<1x80xi32, #tpu.memory_space<vmem>>
        %dma_wait3A_224 = tpu.memref_squeeze %dma_wait3A_223 : memref<1x80xi32, #tpu.memory_space<vmem>> -> memref<80xi32, #tpu.memory_space<vmem>>
        %dma_wait3A_225 = arith.constant 0 : i32
        %dma_wait3A_226 = arith.constant 0 : i32
        %dma_wait3A_227 = tpu.memref_slice %arg6[%dma_wait3A_225, %dma_wait3A_226] : memref<10000x128xf32, #tpu.memory_space<hbm>> -> memref<10000x128xf32, #tpu.memory_space<hbm>>
        tpu.wait_indirect_dma semaphore(%arg20 : memref<!tpu.dma_semaphore, #tpu.memory_space<semaphore_mem>>) src(%dma_wait3A_227 : memref<10000x128xf32, #tpu.memory_space<hbm>>) dst(%arg16 : memref<80x128xf32, #tpu.memory_space<vmem>>)
        %dma_start3A_228 = arith.constant 0 : i32
        %dma_start3A_229 = arith.constant 0 : i32
        %dma_start3A_230 = tpu.memref_slice %arg18[%dma_start3A_228, %dma_start3A_229] : memref<10112x128xf32, #tpu.memory_space<vmem_shared>> -> memref<10112x128xf32, #tpu.memory_space<vmem_shared>>
        tpu.enqueue_indirect_dma source(%arg16 : memref<80x128xf32, #tpu.memory_space<vmem>>) target(%dma_start3A_230 : memref<10112x128xf32, #tpu.memory_space<vmem_shared>>) offsets(%arg13 : memref<80xi32, #tpu.memory_space<vmem>>) semaphore(%arg23 : memref<!tpu.dma_semaphore, #tpu.memory_space<semaphore_mem>>) {add = true}
        %ge3A = arith.constant 1 : i32
        %ge3A_231 = arith.cmpi sge, %add3A_191, %ge3A : i32
        %convert_element_type3A_232 = arith.extui %ge3A_231 : i1 to i32
        %cond3A_233 = arith.constant 0 : i32
        %cond3A_234 = arith.cmpi ne, %convert_element_type3A_232, %cond3A_233 : i32
        scf.if %cond3A_234 {
          %dma_wait3A_242 = arith.constant 0 : i32
          %dma_wait3A_243 = arith.constant 0 : i32
          %dma_wait3A_244 = tpu.memref_slice %arg18[%dma_wait3A_242, %dma_wait3A_243] : memref<10112x128xf32, #tpu.memory_space<vmem_shared>> -> memref<10112x128xf32, #tpu.memory_space<vmem_shared>>
          tpu.wait_indirect_dma semaphore(%arg22 : memref<!tpu.dma_semaphore, #tpu.memory_space<semaphore_mem>>) src(%arg15 : memref<80x128xf32, #tpu.memory_space<vmem>>) dst(%dma_wait3A_244 : memref<10112x128xf32, #tpu.memory_space<vmem_shared>>)
        } else {
        }
        %add3A_235 = arith.constant 2 : i32
        %add3A_236 = arith.addi %add3A_191, %add3A_235 : i32
        %lt3A_237 = arith.constant 125 : i32
        %lt3A_238 = arith.cmpi slt, %add3A_236, %lt3A_237 : i32
        %convert_element_type3A_239 = arith.extui %lt3A_238 : i1 to i32
        %cond3A_240 = arith.constant 0 : i32
        %cond3A_241 = arith.cmpi ne, %convert_element_type3A_239, %cond3A_240 : i32
        scf.if %cond3A_241 {
          %dma_start3A_242 = arith.constant 0 : i32
          %dma_start3A_243 = tpu.memref_slice %arg3[%add3A, %min3A_197, %dma_start3A_242] : memref<32x125x80xi32, #tpu.memory_space<hbm>> -> memref<1x1x80xi32, #tpu.memory_space<hbm>>
          %dma_start3A_244 = tpu.memref_squeeze %dma_start3A_243 : memref<1x1x80xi32, #tpu.memory_space<hbm>> -> memref<80xi32, #tpu.memory_space<hbm>>
          %dma_start3A_245 = arith.constant 0 : i32
          %dma_start3A_246 = tpu.memref_slice %arg3[%add3A, %min3A_197, %dma_start3A_245] : memref<32x125x80xi32, #tpu.memory_space<hbm>> -> memref<1x1x80xi32, #tpu.memory_space<hbm>>
          %dma_start3A_247 = tpu.memref_squeeze %dma_start3A_246 : memref<1x1x80xi32, #tpu.memory_space<hbm>> -> memref<80xi32, #tpu.memory_space<hbm>>
          tpu.enqueue_dma source(%dma_start3A_247 : memref<80xi32, #tpu.memory_space<hbm>>) target(%arg12 : memref<80xi32, #tpu.memory_space<vmem>>) target_semaphore(%arg25 : memref<!tpu.dma_semaphore, #tpu.memory_space<semaphore_mem>>)
          %dma_start3A_248 = arith.constant 0 : i32
          %dma_start3A_249 = tpu.memref_slice %arg11[%min3A_197, %dma_start3A_248] : memref<125x80xi32, #tpu.memory_space<vmem>> -> memref<1x80xi32, #tpu.memory_space<vmem>>
          %dma_start3A_250 = tpu.memref_squeeze %dma_start3A_249 : memref<1x80xi32, #tpu.memory_space<vmem>> -> memref<80xi32, #tpu.memory_space<vmem>>
          %dma_start3A_251 = arith.constant 0 : i32
          %dma_start3A_252 = arith.constant 0 : i32
          %dma_start3A_253 = tpu.memref_slice %arg6[%dma_start3A_251, %dma_start3A_252] : memref<10000x128xf32, #tpu.memory_space<hbm>> -> memref<10000x128xf32, #tpu.memory_space<hbm>>
          tpu.enqueue_indirect_dma source(%dma_start3A_253 : memref<10000x128xf32, #tpu.memory_space<hbm>>) target(%arg15 : memref<80x128xf32, #tpu.memory_space<vmem>>) offsets(%dma_start3A_250 : memref<80xi32, #tpu.memory_space<vmem>>) semaphore(%arg19 : memref<!tpu.dma_semaphore, #tpu.memory_space<semaphore_mem>>)
        } else {
        }
      } else {
      }
      %add3A_203 = arith.constant 2 : i32
      %add3A_204 = arith.addi %add3A_180, %add3A_203 : i32
      %min3A_205 = arith.constant 124 : i32
      %min3A_206 = arith.minsi %add3A_204, %min3A_205 : i32
      %add3A_207 = arith.constant 2 : i32
      %add3A_208 = arith.addi %add3A_204, %add3A_207 : i32
      %min3A_209 = arith.constant 124 : i32
      %min3A_210 = arith.minsi %add3A_208, %min3A_209 : i32
      %lt3A_211 = arith.constant 125 : i32
      %lt3A_212 = arith.cmpi slt, %add3A_204, %lt3A_211 : i32
      %convert_element_type3A_213 = arith.extui %lt3A_212 : i1 to i32
      %cond3A_214 = arith.constant 0 : i32
      %cond3A_215 = arith.cmpi ne, %convert_element_type3A_213, %cond3A_214 : i32
      scf.if %cond3A_215 {
        %dma_wait3A_216 = arith.constant 0 : i32
        %dma_wait3A_217 = tpu.memref_slice %arg3[%add3A, %min3A_206, %dma_wait3A_216] : memref<32x125x80xi32, #tpu.memory_space<hbm>> -> memref<1x1x80xi32, #tpu.memory_space<hbm>>
        %dma_wait3A_218 = tpu.memref_squeeze %dma_wait3A_217 : memref<1x1x80xi32, #tpu.memory_space<hbm>> -> memref<80xi32, #tpu.memory_space<hbm>>
        %dma_wait3A_219 = arith.constant 0 : i32
        %dma_wait3A_220 = tpu.memref_slice %arg3[%add3A, %min3A_206, %dma_wait3A_219] : memref<32x125x80xi32, #tpu.memory_space<hbm>> -> memref<1x1x80xi32, #tpu.memory_space<hbm>>
        %dma_wait3A_221 = tpu.memref_squeeze %dma_wait3A_220 : memref<1x1x80xi32, #tpu.memory_space<hbm>> -> memref<80xi32, #tpu.memory_space<hbm>>
        tpu.wait_dma2 semaphore(%arg27 : memref<!tpu.dma_semaphore, #tpu.memory_space<semaphore_mem>>) src(%dma_wait3A_221 : memref<80xi32, #tpu.memory_space<hbm>>) dst(%arg14 : memref<80xi32, #tpu.memory_space<vmem>>)
        %dma_wait3A_222 = arith.constant 0 : i32
        %dma_wait3A_223 = tpu.memref_slice %arg11[%min3A_206, %dma_wait3A_222] : memref<125x80xi32, #tpu.memory_space<vmem>> -> memref<1x80xi32, #tpu.memory_space<vmem>>
        %dma_wait3A_224 = tpu.memref_squeeze %dma_wait3A_223 : memref<1x80xi32, #tpu.memory_space<vmem>> -> memref<80xi32, #tpu.memory_space<vmem>>
        %dma_wait3A_225 = arith.constant 0 : i32
        %dma_wait3A_226 = arith.constant 0 : i32
        %dma_wait3A_227 = tpu.memref_slice %arg6[%dma_wait3A_225, %dma_wait3A_226] : memref<10000x128xf32, #tpu.memory_space<hbm>> -> memref<10000x128xf32, #tpu.memory_space<hbm>>
        tpu.wait_indirect_dma semaphore(%arg21 : memref<!tpu.dma_semaphore, #tpu.memory_space<semaphore_mem>>) src(%dma_wait3A_227 : memref<10000x128xf32, #tpu.memory_space<hbm>>) dst(%arg17 : memref<80x128xf32, #tpu.memory_space<vmem>>)
        %dma_start3A_228 = arith.constant 0 : i32
        %dma_start3A_229 = arith.constant 0 : i32
        %dma_start3A_230 = tpu.memref_slice %arg18[%dma_start3A_228, %dma_start3A_229] : memref<10112x128xf32, #tpu.memory_space<vmem_shared>> -> memref<10112x128xf32, #tpu.memory_space<vmem_shared>>
        tpu.enqueue_indirect_dma source(%arg17 : memref<80x128xf32, #tpu.memory_space<vmem>>) target(%dma_start3A_230 : memref<10112x128xf32, #tpu.memory_space<vmem_shared>>) offsets(%arg14 : memref<80xi32, #tpu.memory_space<vmem>>) semaphore(%arg24 : memref<!tpu.dma_semaphore, #tpu.memory_space<semaphore_mem>>) {add = true}
        %ge3A = arith.constant 1 : i32
        %ge3A_231 = arith.cmpi sge, %add3A_204, %ge3A : i32
        %convert_element_type3A_232 = arith.extui %ge3A_231 : i1 to i32
        %cond3A_233 = arith.constant 0 : i32
        %cond3A_234 = arith.cmpi ne, %convert_element_type3A_232, %cond3A_233 : i32
        scf.if %cond3A_234 {
          %dma_wait3A_242 = arith.constant 0 : i32
          %dma_wait3A_243 = arith.constant 0 : i32
          %dma_wait3A_244 = tpu.memref_slice %arg18[%dma_wait3A_242, %dma_wait3A_243] : memref<10112x128xf32, #tpu.memory_space<vmem_shared>> -> memref<10112x128xf32, #tpu.memory_space<vmem_shared>>
          tpu.wait_indirect_dma semaphore(%arg23 : memref<!tpu.dma_semaphore, #tpu.memory_space<semaphore_mem>>) src(%arg16 : memref<80x128xf32, #tpu.memory_space<vmem>>) dst(%dma_wait3A_244 : memref<10112x128xf32, #tpu.memory_space<vmem_shared>>)
        } else {
        }
        %add3A_235 = arith.constant 2 : i32
        %add3A_236 = arith.addi %add3A_204, %add3A_235 : i32
        %lt3A_237 = arith.constant 125 : i32
        %lt3A_238 = arith.cmpi slt, %add3A_236, %lt3A_237 : i32
        %convert_element_type3A_239 = arith.extui %lt3A_238 : i1 to i32
        %cond3A_240 = arith.constant 0 : i32
        %cond3A_241 = arith.cmpi ne, %convert_element_type3A_239, %cond3A_240 : i32
        scf.if %cond3A_241 {
          %dma_start3A_242 = arith.constant 0 : i32
          %dma_start3A_243 = tpu.memref_slice %arg3[%add3A, %min3A_210, %dma_start3A_242] : memref<32x125x80xi32, #tpu.memory_space<hbm>> -> memref<1x1x80xi32, #tpu.memory_space<hbm>>
          %dma_start3A_244 = tpu.memref_squeeze %dma_start3A_243 : memref<1x1x80xi32, #tpu.memory_space<hbm>> -> memref<80xi32, #tpu.memory_space<hbm>>
          %dma_start3A_245 = arith.constant 0 : i32
          %dma_start3A_246 = tpu.memref_slice %arg3[%add3A, %min3A_210, %dma_start3A_245] : memref<32x125x80xi32, #tpu.memory_space<hbm>> -> memref<1x1x80xi32, #tpu.memory_space<hbm>>
          %dma_start3A_247 = tpu.memref_squeeze %dma_start3A_246 : memref<1x1x80xi32, #tpu.memory_space<hbm>> -> memref<80xi32, #tpu.memory_space<hbm>>
          tpu.enqueue_dma source(%dma_start3A_247 : memref<80xi32, #tpu.memory_space<hbm>>) target(%arg13 : memref<80xi32, #tpu.memory_space<vmem>>) target_semaphore(%arg26 : memref<!tpu.dma_semaphore, #tpu.memory_space<semaphore_mem>>)
          %dma_start3A_248 = arith.constant 0 : i32
          %dma_start3A_249 = tpu.memref_slice %arg11[%min3A_210, %dma_start3A_248] : memref<125x80xi32, #tpu.memory_space<vmem>> -> memref<1x80xi32, #tpu.memory_space<vmem>>
          %dma_start3A_250 = tpu.memref_squeeze %dma_start3A_249 : memref<1x80xi32, #tpu.memory_space<vmem>> -> memref<80xi32, #tpu.memory_space<vmem>>
          %dma_start3A_251 = arith.constant 0 : i32
          %dma_start3A_252 = arith.constant 0 : i32
          %dma_start3A_253 = tpu.memref_slice %arg6[%dma_start3A_251, %dma_start3A_252] : memref<10000x128xf32, #tpu.memory_space<hbm>> -> memref<10000x128xf32, #tpu.memory_space<hbm>>
          tpu.enqueue_indirect_dma source(%dma_start3A_253 : memref<10000x128xf32, #tpu.memory_space<hbm>>) target(%arg16 : memref<80x128xf32, #tpu.memory_space<vmem>>) offsets(%dma_start3A_250 : memref<80xi32, #tpu.memory_space<vmem>>) semaphore(%arg20 : memref<!tpu.dma_semaphore, #tpu.memory_space<semaphore_mem>>)
        } else {
        }
      } else {
      }
    }
    %scan3A_109 = arith.constant 42 : i32
    %dma_wait3A_110 = arith.constant 0 : i32
    %dma_wait3A_111 = arith.constant 0 : i32
    %dma_wait3A_112 = tpu.memref_slice %arg18[%dma_wait3A_110, %dma_wait3A_111] : memref<10112x128xf32, #tpu.memory_space<vmem_shared>> -> memref<10112x128xf32, #tpu.memory_space<vmem_shared>>
    tpu.wait_indirect_dma semaphore(%arg23 : memref<!tpu.dma_semaphore, #tpu.memory_space<semaphore_mem>>) src(%arg16 : memref<80x128xf32, #tpu.memory_space<vmem>>) dst(%dma_wait3A_112 : memref<10112x128xf32, #tpu.memory_space<vmem_shared>>)
    %barrier3A_113 = arith.constant 0 : index
    tpu.barrier barrier_id(%barrier3A_113)
    %run_scoped3A_114 = arith.constant 2 : i32
    "tpu.region"() ({
      %run_scoped3A_176 = tpu.sem_alloc : memref<!tpu.dma_semaphore, #tpu.memory_space<semaphore_mem>>
      %dma_start3A_177 = arith.constant 0 : i32
      %dma_start3A_178 = tpu.memref_slice %arg10[%run_scoped3A_114, %arg0, %multiple_of3A, %dma_start3A_177] : memref<5x2x10112x128xf32, #tpu.memory_space<hbm>> -> memref<1x1x632x128xf32, #tpu.memory_space<hbm>>
      %dma_start3A_179 = tpu.memref_squeeze %dma_start3A_178 : memref<1x1x632x128xf32, #tpu.memory_space<hbm>> -> memref<632x128xf32, #tpu.memory_space<hbm>>
      %dma_start3A_180 = arith.constant 0 : i32
      %dma_start3A_181 = tpu.memref_slice %arg18[%multiple_of3A, %dma_start3A_180] : memref<10112x128xf32, #tpu.memory_space<vmem_shared>> -> memref<632x128xf32, #tpu.memory_space<vmem_shared>>
      tpu.enqueue_dma source(%dma_start3A_181 : memref<632x128xf32, #tpu.memory_space<vmem_shared>>) target(%dma_start3A_179 : memref<632x128xf32, #tpu.memory_space<hbm>>) target_semaphore(%run_scoped3A_176 : memref<!tpu.dma_semaphore, #tpu.memory_space<semaphore_mem>>)
      %dma_wait3A_182 = arith.constant 0 : i32
      %dma_wait3A_183 = tpu.memref_slice %arg10[%run_scoped3A_114, %arg0, %multiple_of3A, %dma_wait3A_182] : memref<5x2x10112x128xf32, #tpu.memory_space<hbm>> -> memref<1x1x632x128xf32, #tpu.memory_space<hbm>>
      %dma_wait3A_184 = tpu.memref_squeeze %dma_wait3A_183 : memref<1x1x632x128xf32, #tpu.memory_space<hbm>> -> memref<632x128xf32, #tpu.memory_space<hbm>>
      %dma_wait3A_185 = arith.constant 0 : i32
      %dma_wait3A_186 = tpu.memref_slice %arg18[%multiple_of3A, %dma_wait3A_185] : memref<10112x128xf32, #tpu.memory_space<vmem_shared>> -> memref<632x128xf32, #tpu.memory_space<vmem_shared>>
      tpu.wait_dma2 semaphore(%run_scoped3A_176 : memref<!tpu.dma_semaphore, #tpu.memory_space<semaphore_mem>>) src(%dma_wait3A_186 : memref<632x128xf32, #tpu.memory_space<vmem_shared>>) dst(%dma_wait3A_184 : memref<632x128xf32, #tpu.memory_space<hbm>>)
      tpu.yield
    }) : () -> ()
    "tpu.region"() ({
      %run_scoped3A_176 = tpu.sem_alloc : memref<!tpu.dma_semaphore, #tpu.memory_space<semaphore_mem>>
      %dma_start3A_177 = arith.constant 0 : i32
      %dma_start3A_178 = tpu.memref_slice %arg18[%multiple_of3A, %dma_start3A_177] : memref<10112x128xf32, #tpu.memory_space<vmem_shared>> -> memref<632x128xf32, #tpu.memory_space<vmem_shared>>
      tpu.enqueue_dma source(%arg8 : memref<632x128xf32, #tpu.memory_space<hbm>>) target(%dma_start3A_178 : memref<632x128xf32, #tpu.memory_space<vmem_shared>>) target_semaphore(%run_scoped3A_176 : memref<!tpu.dma_semaphore, #tpu.memory_space<semaphore_mem>>)
      %dma_wait3A_179 = arith.constant 0 : i32
      %dma_wait3A_180 = tpu.memref_slice %arg18[%multiple_of3A, %dma_wait3A_179] : memref<10112x128xf32, #tpu.memory_space<vmem_shared>> -> memref<632x128xf32, #tpu.memory_space<vmem_shared>>
      tpu.wait_dma2 semaphore(%run_scoped3A_176 : memref<!tpu.dma_semaphore, #tpu.memory_space<semaphore_mem>>) src(%arg8 : memref<632x128xf32, #tpu.memory_space<hbm>>) dst(%dma_wait3A_180 : memref<632x128xf32, #tpu.memory_space<vmem_shared>>)
      tpu.yield
    }) : () -> ()
    %barrier3A_115 = arith.constant 0 : index
    tpu.barrier barrier_id(%barrier3A_115)
    %dma_start3A_116 = arith.constant 0 : i32
    %dma_start3A_117 = arith.constant 0 : i32
    %dma_start3A_118 = tpu.memref_slice %arg3[%add3A, %dma_start3A_116, %dma_start3A_117] : memref<32x125x80xi32, #tpu.memory_space<hbm>> -> memref<1x1x80xi32, #tpu.memory_space<hbm>>
    %dma_start3A_119 = tpu.memref_squeeze %dma_start3A_118 : memref<1x1x80xi32, #tpu.memory_space<hbm>> -> memref<80xi32, #tpu.memory_space<hbm>>
    %dma_start3A_120 = arith.constant 0 : i32
    %dma_start3A_121 = tpu.memref_slice %arg3[%add3A, %dma_start3A_116, %dma_start3A_120] : memref<32x125x80xi32, #tpu.memory_space<hbm>> -> memref<1x1x80xi32, #tpu.memory_space<hbm>>
    %dma_start3A_122 = tpu.memref_squeeze %dma_start3A_121 : memref<1x1x80xi32, #tpu.memory_space<hbm>> -> memref<80xi32, #tpu.memory_space<hbm>>
    tpu.enqueue_dma source(%dma_start3A_122 : memref<80xi32, #tpu.memory_space<hbm>>) target(%arg12 : memref<80xi32, #tpu.memory_space<vmem>>) target_semaphore(%arg25 : memref<!tpu.dma_semaphore, #tpu.memory_space<semaphore_mem>>)
    %dma_start3A_123 = arith.constant 1 : i32
    %dma_start3A_124 = arith.constant 0 : i32
    %dma_start3A_125 = tpu.memref_slice %arg3[%add3A, %dma_start3A_123, %dma_start3A_124] : memref<32x125x80xi32, #tpu.memory_space<hbm>> -> memref<1x1x80xi32, #tpu.memory_space<hbm>>
    %dma_start3A_126 = tpu.memref_squeeze %dma_start3A_125 : memref<1x1x80xi32, #tpu.memory_space<hbm>> -> memref<80xi32, #tpu.memory_space<hbm>>
    %dma_start3A_127 = arith.constant 0 : i32
    %dma_start3A_128 = tpu.memref_slice %arg3[%add3A, %dma_start3A_123, %dma_start3A_127] : memref<32x125x80xi32, #tpu.memory_space<hbm>> -> memref<1x1x80xi32, #tpu.memory_space<hbm>>
    %dma_start3A_129 = tpu.memref_squeeze %dma_start3A_128 : memref<1x1x80xi32, #tpu.memory_space<hbm>> -> memref<80xi32, #tpu.memory_space<hbm>>
    tpu.enqueue_dma source(%dma_start3A_129 : memref<80xi32, #tpu.memory_space<hbm>>) target(%arg13 : memref<80xi32, #tpu.memory_space<vmem>>) target_semaphore(%arg26 : memref<!tpu.dma_semaphore, #tpu.memory_space<semaphore_mem>>)
    %dma_start3A_130 = arith.constant 0 : i32
    %dma_start3A_131 = arith.constant 0 : i32
    %dma_start3A_132 = tpu.memref_slice %arg11[%dma_start3A_130, %dma_start3A_131] : memref<125x80xi32, #tpu.memory_space<vmem>> -> memref<1x80xi32, #tpu.memory_space<vmem>>
    %dma_start3A_133 = tpu.memref_squeeze %dma_start3A_132 : memref<1x80xi32, #tpu.memory_space<vmem>> -> memref<80xi32, #tpu.memory_space<vmem>>
    %dma_start3A_134 = arith.constant 0 : i32
    %dma_start3A_135 = arith.constant 0 : i32
    %dma_start3A_136 = tpu.memref_slice %arg7[%dma_start3A_134, %dma_start3A_135] : memref<10000x128xf32, #tpu.memory_space<hbm>> -> memref<10000x128xf32, #tpu.memory_space<hbm>>
    tpu.enqueue_indirect_dma source(%dma_start3A_136 : memref<10000x128xf32, #tpu.memory_space<hbm>>) target(%arg15 : memref<80x128xf32, #tpu.memory_space<vmem>>) offsets(%dma_start3A_133 : memref<80xi32, #tpu.memory_space<vmem>>) semaphore(%arg19 : memref<!tpu.dma_semaphore, #tpu.memory_space<semaphore_mem>>)
    %dma_start3A_137 = arith.constant 1 : i32
    %dma_start3A_138 = arith.constant 0 : i32
    %dma_start3A_139 = tpu.memref_slice %arg11[%dma_start3A_137, %dma_start3A_138] : memref<125x80xi32, #tpu.memory_space<vmem>> -> memref<1x80xi32, #tpu.memory_space<vmem>>
    %dma_start3A_140 = tpu.memref_squeeze %dma_start3A_139 : memref<1x80xi32, #tpu.memory_space<vmem>> -> memref<80xi32, #tpu.memory_space<vmem>>
    %dma_start3A_141 = arith.constant 0 : i32
    %dma_start3A_142 = arith.constant 0 : i32
    %dma_start3A_143 = tpu.memref_slice %arg7[%dma_start3A_141, %dma_start3A_142] : memref<10000x128xf32, #tpu.memory_space<hbm>> -> memref<10000x128xf32, #tpu.memory_space<hbm>>
    tpu.enqueue_indirect_dma source(%dma_start3A_143 : memref<10000x128xf32, #tpu.memory_space<hbm>>) target(%arg16 : memref<80x128xf32, #tpu.memory_space<vmem>>) offsets(%dma_start3A_140 : memref<80xi32, #tpu.memory_space<vmem>>) semaphore(%arg20 : memref<!tpu.dma_semaphore, #tpu.memory_space<semaphore_mem>>)
    %scan3A_144 = arith.constant 0 : i32
    %scan3A_145 = arith.constant 42 : i32
    %scan3A_146 = arith.addi %scan3A_144, %scan3A_145 : i32
    %scan3A_147 = arith.constant 1 : i32
    scf.for %scan3A_176 = %scan3A_144 to %scan3A_146 step %scan3A_147  : i32 {
      %mul3A_177 = arith.constant 3 : i32
      %mul3A_178 = arith.muli %scan3A_176, %mul3A_177 : i32
      %add3A_179 = arith.constant 0 : i32
      %add3A_180 = arith.addi %add3A_179, %mul3A_178 : i32
      %add3A_181 = arith.constant 0 : i32
      %add3A_182 = arith.addi %add3A_180, %add3A_181 : i32
      %min3A = arith.constant 124 : i32
      %min3A_183 = arith.minsi %add3A_182, %min3A : i32
      %add3A_184 = arith.constant 2 : i32
      %add3A_185 = arith.addi %add3A_182, %add3A_184 : i32
      %min3A_186 = arith.constant 124 : i32
      %min3A_187 = arith.minsi %add3A_185, %min3A_186 : i32
      %lt3A = arith.constant 125 : i32
      %lt3A_188 = arith.cmpi slt, %add3A_182, %lt3A : i32
      %convert_element_type3A = arith.extui %lt3A_188 : i1 to i32
      %cond3A = arith.constant 0 : i32
      %cond3A_189 = arith.cmpi ne, %convert_element_type3A, %cond3A : i32
      scf.if %cond3A_189 {
        %dma_wait3A_216 = arith.constant 0 : i32
        %dma_wait3A_217 = tpu.memref_slice %arg3[%add3A, %min3A_183, %dma_wait3A_216] : memref<32x125x80xi32, #tpu.memory_space<hbm>> -> memref<1x1x80xi32, #tpu.memory_space<hbm>>
        %dma_wait3A_218 = tpu.memref_squeeze %dma_wait3A_217 : memref<1x1x80xi32, #tpu.memory_space<hbm>> -> memref<80xi32, #tpu.memory_space<hbm>>
        %dma_wait3A_219 = arith.constant 0 : i32
        %dma_wait3A_220 = tpu.memref_slice %arg3[%add3A, %min3A_183, %dma_wait3A_219] : memref<32x125x80xi32, #tpu.memory_space<hbm>> -> memref<1x1x80xi32, #tpu.memory_space<hbm>>
        %dma_wait3A_221 = tpu.memref_squeeze %dma_wait3A_220 : memref<1x1x80xi32, #tpu.memory_space<hbm>> -> memref<80xi32, #tpu.memory_space<hbm>>
        tpu.wait_dma2 semaphore(%arg25 : memref<!tpu.dma_semaphore, #tpu.memory_space<semaphore_mem>>) src(%dma_wait3A_221 : memref<80xi32, #tpu.memory_space<hbm>>) dst(%arg12 : memref<80xi32, #tpu.memory_space<vmem>>)
        %dma_wait3A_222 = arith.constant 0 : i32
        %dma_wait3A_223 = tpu.memref_slice %arg11[%min3A_183, %dma_wait3A_222] : memref<125x80xi32, #tpu.memory_space<vmem>> -> memref<1x80xi32, #tpu.memory_space<vmem>>
        %dma_wait3A_224 = tpu.memref_squeeze %dma_wait3A_223 : memref<1x80xi32, #tpu.memory_space<vmem>> -> memref<80xi32, #tpu.memory_space<vmem>>
        %dma_wait3A_225 = arith.constant 0 : i32
        %dma_wait3A_226 = arith.constant 0 : i32
        %dma_wait3A_227 = tpu.memref_slice %arg7[%dma_wait3A_225, %dma_wait3A_226] : memref<10000x128xf32, #tpu.memory_space<hbm>> -> memref<10000x128xf32, #tpu.memory_space<hbm>>
        tpu.wait_indirect_dma semaphore(%arg19 : memref<!tpu.dma_semaphore, #tpu.memory_space<semaphore_mem>>) src(%dma_wait3A_227 : memref<10000x128xf32, #tpu.memory_space<hbm>>) dst(%arg15 : memref<80x128xf32, #tpu.memory_space<vmem>>)
        %dma_start3A_228 = arith.constant 0 : i32
        %dma_start3A_229 = arith.constant 0 : i32
        %dma_start3A_230 = tpu.memref_slice %arg18[%dma_start3A_228, %dma_start3A_229] : memref<10112x128xf32, #tpu.memory_space<vmem_shared>> -> memref<10112x128xf32, #tpu.memory_space<vmem_shared>>
        tpu.enqueue_indirect_dma source(%arg15 : memref<80x128xf32, #tpu.memory_space<vmem>>) target(%dma_start3A_230 : memref<10112x128xf32, #tpu.memory_space<vmem_shared>>) offsets(%arg12 : memref<80xi32, #tpu.memory_space<vmem>>) semaphore(%arg22 : memref<!tpu.dma_semaphore, #tpu.memory_space<semaphore_mem>>) {add = true}
        %ge3A = arith.constant 1 : i32
        %ge3A_231 = arith.cmpi sge, %add3A_182, %ge3A : i32
        %convert_element_type3A_232 = arith.extui %ge3A_231 : i1 to i32
        %cond3A_233 = arith.constant 0 : i32
        %cond3A_234 = arith.cmpi ne, %convert_element_type3A_232, %cond3A_233 : i32
        scf.if %cond3A_234 {
          %dma_wait3A_242 = arith.constant 0 : i32
          %dma_wait3A_243 = arith.constant 0 : i32
          %dma_wait3A_244 = tpu.memref_slice %arg18[%dma_wait3A_242, %dma_wait3A_243] : memref<10112x128xf32, #tpu.memory_space<vmem_shared>> -> memref<10112x128xf32, #tpu.memory_space<vmem_shared>>
          tpu.wait_indirect_dma semaphore(%arg24 : memref<!tpu.dma_semaphore, #tpu.memory_space<semaphore_mem>>) src(%arg17 : memref<80x128xf32, #tpu.memory_space<vmem>>) dst(%dma_wait3A_244 : memref<10112x128xf32, #tpu.memory_space<vmem_shared>>)
        } else {
        }
        %add3A_235 = arith.constant 2 : i32
        %add3A_236 = arith.addi %add3A_182, %add3A_235 : i32
        %lt3A_237 = arith.constant 125 : i32
        %lt3A_238 = arith.cmpi slt, %add3A_236, %lt3A_237 : i32
        %convert_element_type3A_239 = arith.extui %lt3A_238 : i1 to i32
        %cond3A_240 = arith.constant 0 : i32
        %cond3A_241 = arith.cmpi ne, %convert_element_type3A_239, %cond3A_240 : i32
        scf.if %cond3A_241 {
          %dma_start3A_242 = arith.constant 0 : i32
          %dma_start3A_243 = tpu.memref_slice %arg3[%add3A, %min3A_187, %dma_start3A_242] : memref<32x125x80xi32, #tpu.memory_space<hbm>> -> memref<1x1x80xi32, #tpu.memory_space<hbm>>
          %dma_start3A_244 = tpu.memref_squeeze %dma_start3A_243 : memref<1x1x80xi32, #tpu.memory_space<hbm>> -> memref<80xi32, #tpu.memory_space<hbm>>
          %dma_start3A_245 = arith.constant 0 : i32
          %dma_start3A_246 = tpu.memref_slice %arg3[%add3A, %min3A_187, %dma_start3A_245] : memref<32x125x80xi32, #tpu.memory_space<hbm>> -> memref<1x1x80xi32, #tpu.memory_space<hbm>>
          %dma_start3A_247 = tpu.memref_squeeze %dma_start3A_246 : memref<1x1x80xi32, #tpu.memory_space<hbm>> -> memref<80xi32, #tpu.memory_space<hbm>>
          tpu.enqueue_dma source(%dma_start3A_247 : memref<80xi32, #tpu.memory_space<hbm>>) target(%arg14 : memref<80xi32, #tpu.memory_space<vmem>>) target_semaphore(%arg27 : memref<!tpu.dma_semaphore, #tpu.memory_space<semaphore_mem>>)
          %dma_start3A_248 = arith.constant 0 : i32
          %dma_start3A_249 = tpu.memref_slice %arg11[%min3A_187, %dma_start3A_248] : memref<125x80xi32, #tpu.memory_space<vmem>> -> memref<1x80xi32, #tpu.memory_space<vmem>>
          %dma_start3A_250 = tpu.memref_squeeze %dma_start3A_249 : memref<1x80xi32, #tpu.memory_space<vmem>> -> memref<80xi32, #tpu.memory_space<vmem>>
          %dma_start3A_251 = arith.constant 0 : i32
          %dma_start3A_252 = arith.constant 0 : i32
          %dma_start3A_253 = tpu.memref_slice %arg7[%dma_start3A_251, %dma_start3A_252] : memref<10000x128xf32, #tpu.memory_space<hbm>> -> memref<10000x128xf32, #tpu.memory_space<hbm>>
          tpu.enqueue_indirect_dma source(%dma_start3A_253 : memref<10000x128xf32, #tpu.memory_space<hbm>>) target(%arg17 : memref<80x128xf32, #tpu.memory_space<vmem>>) offsets(%dma_start3A_250 : memref<80xi32, #tpu.memory_space<vmem>>) semaphore(%arg21 : memref<!tpu.dma_semaphore, #tpu.memory_space<semaphore_mem>>)
        } else {
        }
      } else {
      }
      %add3A_190 = arith.constant 1 : i32
      %add3A_191 = arith.addi %add3A_180, %add3A_190 : i32
      %min3A_192 = arith.constant 124 : i32
      %min3A_193 = arith.minsi %add3A_191, %min3A_192 : i32
      %add3A_194 = arith.constant 2 : i32
      %add3A_195 = arith.addi %add3A_191, %add3A_194 : i32
      %min3A_196 = arith.constant 124 : i32
      %min3A_197 = arith.minsi %add3A_195, %min3A_196 : i32
      %lt3A_198 = arith.constant 125 : i32
      %lt3A_199 = arith.cmpi slt, %add3A_191, %lt3A_198 : i32
      %convert_element_type3A_200 = arith.extui %lt3A_199 : i1 to i32
      %cond3A_201 = arith.constant 0 : i32
      %cond3A_202 = arith.cmpi ne, %convert_element_type3A_200, %cond3A_201 : i32
      scf.if %cond3A_202 {
        %dma_wait3A_216 = arith.constant 0 : i32
        %dma_wait3A_217 = tpu.memref_slice %arg3[%add3A, %min3A_193, %dma_wait3A_216] : memref<32x125x80xi32, #tpu.memory_space<hbm>> -> memref<1x1x80xi32, #tpu.memory_space<hbm>>
        %dma_wait3A_218 = tpu.memref_squeeze %dma_wait3A_217 : memref<1x1x80xi32, #tpu.memory_space<hbm>> -> memref<80xi32, #tpu.memory_space<hbm>>
        %dma_wait3A_219 = arith.constant 0 : i32
        %dma_wait3A_220 = tpu.memref_slice %arg3[%add3A, %min3A_193, %dma_wait3A_219] : memref<32x125x80xi32, #tpu.memory_space<hbm>> -> memref<1x1x80xi32, #tpu.memory_space<hbm>>
        %dma_wait3A_221 = tpu.memref_squeeze %dma_wait3A_220 : memref<1x1x80xi32, #tpu.memory_space<hbm>> -> memref<80xi32, #tpu.memory_space<hbm>>
        tpu.wait_dma2 semaphore(%arg26 : memref<!tpu.dma_semaphore, #tpu.memory_space<semaphore_mem>>) src(%dma_wait3A_221 : memref<80xi32, #tpu.memory_space<hbm>>) dst(%arg13 : memref<80xi32, #tpu.memory_space<vmem>>)
        %dma_wait3A_222 = arith.constant 0 : i32
        %dma_wait3A_223 = tpu.memref_slice %arg11[%min3A_193, %dma_wait3A_222] : memref<125x80xi32, #tpu.memory_space<vmem>> -> memref<1x80xi32, #tpu.memory_space<vmem>>
        %dma_wait3A_224 = tpu.memref_squeeze %dma_wait3A_223 : memref<1x80xi32, #tpu.memory_space<vmem>> -> memref<80xi32, #tpu.memory_space<vmem>>
        %dma_wait3A_225 = arith.constant 0 : i32
        %dma_wait3A_226 = arith.constant 0 : i32
        %dma_wait3A_227 = tpu.memref_slice %arg7[%dma_wait3A_225, %dma_wait3A_226] : memref<10000x128xf32, #tpu.memory_space<hbm>> -> memref<10000x128xf32, #tpu.memory_space<hbm>>
        tpu.wait_indirect_dma semaphore(%arg20 : memref<!tpu.dma_semaphore, #tpu.memory_space<semaphore_mem>>) src(%dma_wait3A_227 : memref<10000x128xf32, #tpu.memory_space<hbm>>) dst(%arg16 : memref<80x128xf32, #tpu.memory_space<vmem>>)
        %dma_start3A_228 = arith.constant 0 : i32
        %dma_start3A_229 = arith.constant 0 : i32
        %dma_start3A_230 = tpu.memref_slice %arg18[%dma_start3A_228, %dma_start3A_229] : memref<10112x128xf32, #tpu.memory_space<vmem_shared>> -> memref<10112x128xf32, #tpu.memory_space<vmem_shared>>
        tpu.enqueue_indirect_dma source(%arg16 : memref<80x128xf32, #tpu.memory_space<vmem>>) target(%dma_start3A_230 : memref<10112x128xf32, #tpu.memory_space<vmem_shared>>) offsets(%arg13 : memref<80xi32, #tpu.memory_space<vmem>>) semaphore(%arg23 : memref<!tpu.dma_semaphore, #tpu.memory_space<semaphore_mem>>) {add = true}
        %ge3A = arith.constant 1 : i32
        %ge3A_231 = arith.cmpi sge, %add3A_191, %ge3A : i32
        %convert_element_type3A_232 = arith.extui %ge3A_231 : i1 to i32
        %cond3A_233 = arith.constant 0 : i32
        %cond3A_234 = arith.cmpi ne, %convert_element_type3A_232, %cond3A_233 : i32
        scf.if %cond3A_234 {
          %dma_wait3A_242 = arith.constant 0 : i32
          %dma_wait3A_243 = arith.constant 0 : i32
          %dma_wait3A_244 = tpu.memref_slice %arg18[%dma_wait3A_242, %dma_wait3A_243] : memref<10112x128xf32, #tpu.memory_space<vmem_shared>> -> memref<10112x128xf32, #tpu.memory_space<vmem_shared>>
          tpu.wait_indirect_dma semaphore(%arg22 : memref<!tpu.dma_semaphore, #tpu.memory_space<semaphore_mem>>) src(%arg15 : memref<80x128xf32, #tpu.memory_space<vmem>>) dst(%dma_wait3A_244 : memref<10112x128xf32, #tpu.memory_space<vmem_shared>>)
        } else {
        }
        %add3A_235 = arith.constant 2 : i32
        %add3A_236 = arith.addi %add3A_191, %add3A_235 : i32
        %lt3A_237 = arith.constant 125 : i32
        %lt3A_238 = arith.cmpi slt, %add3A_236, %lt3A_237 : i32
        %convert_element_type3A_239 = arith.extui %lt3A_238 : i1 to i32
        %cond3A_240 = arith.constant 0 : i32
        %cond3A_241 = arith.cmpi ne, %convert_element_type3A_239, %cond3A_240 : i32
        scf.if %cond3A_241 {
          %dma_start3A_242 = arith.constant 0 : i32
          %dma_start3A_243 = tpu.memref_slice %arg3[%add3A, %min3A_197, %dma_start3A_242] : memref<32x125x80xi32, #tpu.memory_space<hbm>> -> memref<1x1x80xi32, #tpu.memory_space<hbm>>
          %dma_start3A_244 = tpu.memref_squeeze %dma_start3A_243 : memref<1x1x80xi32, #tpu.memory_space<hbm>> -> memref<80xi32, #tpu.memory_space<hbm>>
          %dma_start3A_245 = arith.constant 0 : i32
          %dma_start3A_246 = tpu.memref_slice %arg3[%add3A, %min3A_197, %dma_start3A_245] : memref<32x125x80xi32, #tpu.memory_space<hbm>> -> memref<1x1x80xi32, #tpu.memory_space<hbm>>
          %dma_start3A_247 = tpu.memref_squeeze %dma_start3A_246 : memref<1x1x80xi32, #tpu.memory_space<hbm>> -> memref<80xi32, #tpu.memory_space<hbm>>
          tpu.enqueue_dma source(%dma_start3A_247 : memref<80xi32, #tpu.memory_space<hbm>>) target(%arg12 : memref<80xi32, #tpu.memory_space<vmem>>) target_semaphore(%arg25 : memref<!tpu.dma_semaphore, #tpu.memory_space<semaphore_mem>>)
          %dma_start3A_248 = arith.constant 0 : i32
          %dma_start3A_249 = tpu.memref_slice %arg11[%min3A_197, %dma_start3A_248] : memref<125x80xi32, #tpu.memory_space<vmem>> -> memref<1x80xi32, #tpu.memory_space<vmem>>
          %dma_start3A_250 = tpu.memref_squeeze %dma_start3A_249 : memref<1x80xi32, #tpu.memory_space<vmem>> -> memref<80xi32, #tpu.memory_space<vmem>>
          %dma_start3A_251 = arith.constant 0 : i32
          %dma_start3A_252 = arith.constant 0 : i32
          %dma_start3A_253 = tpu.memref_slice %arg7[%dma_start3A_251, %dma_start3A_252] : memref<10000x128xf32, #tpu.memory_space<hbm>> -> memref<10000x128xf32, #tpu.memory_space<hbm>>
          tpu.enqueue_indirect_dma source(%dma_start3A_253 : memref<10000x128xf32, #tpu.memory_space<hbm>>) target(%arg15 : memref<80x128xf32, #tpu.memory_space<vmem>>) offsets(%dma_start3A_250 : memref<80xi32, #tpu.memory_space<vmem>>) semaphore(%arg19 : memref<!tpu.dma_semaphore, #tpu.memory_space<semaphore_mem>>)
        } else {
        }
      } else {
      }
      %add3A_203 = arith.constant 2 : i32
      %add3A_204 = arith.addi %add3A_180, %add3A_203 : i32
      %min3A_205 = arith.constant 124 : i32
      %min3A_206 = arith.minsi %add3A_204, %min3A_205 : i32
      %add3A_207 = arith.constant 2 : i32
      %add3A_208 = arith.addi %add3A_204, %add3A_207 : i32
      %min3A_209 = arith.constant 124 : i32
      %min3A_210 = arith.minsi %add3A_208, %min3A_209 : i32
      %lt3A_211 = arith.constant 125 : i32
      %lt3A_212 = arith.cmpi slt, %add3A_204, %lt3A_211 : i32
      %convert_element_type3A_213 = arith.extui %lt3A_212 : i1 to i32
      %cond3A_214 = arith.constant 0 : i32
      %cond3A_215 = arith.cmpi ne, %convert_element_type3A_213, %cond3A_214 : i32
      scf.if %cond3A_215 {
        %dma_wait3A_216 = arith.constant 0 : i32
        %dma_wait3A_217 = tpu.memref_slice %arg3[%add3A, %min3A_206, %dma_wait3A_216] : memref<32x125x80xi32, #tpu.memory_space<hbm>> -> memref<1x1x80xi32, #tpu.memory_space<hbm>>
        %dma_wait3A_218 = tpu.memref_squeeze %dma_wait3A_217 : memref<1x1x80xi32, #tpu.memory_space<hbm>> -> memref<80xi32, #tpu.memory_space<hbm>>
        %dma_wait3A_219 = arith.constant 0 : i32
        %dma_wait3A_220 = tpu.memref_slice %arg3[%add3A, %min3A_206, %dma_wait3A_219] : memref<32x125x80xi32, #tpu.memory_space<hbm>> -> memref<1x1x80xi32, #tpu.memory_space<hbm>>
        %dma_wait3A_221 = tpu.memref_squeeze %dma_wait3A_220 : memref<1x1x80xi32, #tpu.memory_space<hbm>> -> memref<80xi32, #tpu.memory_space<hbm>>
        tpu.wait_dma2 semaphore(%arg27 : memref<!tpu.dma_semaphore, #tpu.memory_space<semaphore_mem>>) src(%dma_wait3A_221 : memref<80xi32, #tpu.memory_space<hbm>>) dst(%arg14 : memref<80xi32, #tpu.memory_space<vmem>>)
        %dma_wait3A_222 = arith.constant 0 : i32
        %dma_wait3A_223 = tpu.memref_slice %arg11[%min3A_206, %dma_wait3A_222] : memref<125x80xi32, #tpu.memory_space<vmem>> -> memref<1x80xi32, #tpu.memory_space<vmem>>
        %dma_wait3A_224 = tpu.memref_squeeze %dma_wait3A_223 : memref<1x80xi32, #tpu.memory_space<vmem>> -> memref<80xi32, #tpu.memory_space<vmem>>
        %dma_wait3A_225 = arith.constant 0 : i32
        %dma_wait3A_226 = arith.constant 0 : i32
        %dma_wait3A_227 = tpu.memref_slice %arg7[%dma_wait3A_225, %dma_wait3A_226] : memref<10000x128xf32, #tpu.memory_space<hbm>> -> memref<10000x128xf32, #tpu.memory_space<hbm>>
        tpu.wait_indirect_dma semaphore(%arg21 : memref<!tpu.dma_semaphore, #tpu.memory_space<semaphore_mem>>) src(%dma_wait3A_227 : memref<10000x128xf32, #tpu.memory_space<hbm>>) dst(%arg17 : memref<80x128xf32, #tpu.memory_space<vmem>>)
        %dma_start3A_228 = arith.constant 0 : i32
        %dma_start3A_229 = arith.constant 0 : i32
        %dma_start3A_230 = tpu.memref_slice %arg18[%dma_start3A_228, %dma_start3A_229] : memref<10112x128xf32, #tpu.memory_space<vmem_shared>> -> memref<10112x128xf32, #tpu.memory_space<vmem_shared>>
        tpu.enqueue_indirect_dma source(%arg17 : memref<80x128xf32, #tpu.memory_space<vmem>>) target(%dma_start3A_230 : memref<10112x128xf32, #tpu.memory_space<vmem_shared>>) offsets(%arg14 : memref<80xi32, #tpu.memory_space<vmem>>) semaphore(%arg24 : memref<!tpu.dma_semaphore, #tpu.memory_space<semaphore_mem>>) {add = true}
        %ge3A = arith.constant 1 : i32
        %ge3A_231 = arith.cmpi sge, %add3A_204, %ge3A : i32
        %convert_element_type3A_232 = arith.extui %ge3A_231 : i1 to i32
        %cond3A_233 = arith.constant 0 : i32
        %cond3A_234 = arith.cmpi ne, %convert_element_type3A_232, %cond3A_233 : i32
        scf.if %cond3A_234 {
          %dma_wait3A_242 = arith.constant 0 : i32
          %dma_wait3A_243 = arith.constant 0 : i32
          %dma_wait3A_244 = tpu.memref_slice %arg18[%dma_wait3A_242, %dma_wait3A_243] : memref<10112x128xf32, #tpu.memory_space<vmem_shared>> -> memref<10112x128xf32, #tpu.memory_space<vmem_shared>>
          tpu.wait_indirect_dma semaphore(%arg23 : memref<!tpu.dma_semaphore, #tpu.memory_space<semaphore_mem>>) src(%arg16 : memref<80x128xf32, #tpu.memory_space<vmem>>) dst(%dma_wait3A_244 : memref<10112x128xf32, #tpu.memory_space<vmem_shared>>)
        } else {
        }
        %add3A_235 = arith.constant 2 : i32
        %add3A_236 = arith.addi %add3A_204, %add3A_235 : i32
        %lt3A_237 = arith.constant 125 : i32
        %lt3A_238 = arith.cmpi slt, %add3A_236, %lt3A_237 : i32
        %convert_element_type3A_239 = arith.extui %lt3A_238 : i1 to i32
        %cond3A_240 = arith.constant 0 : i32
        %cond3A_241 = arith.cmpi ne, %convert_element_type3A_239, %cond3A_240 : i32
        scf.if %cond3A_241 {
          %dma_start3A_242 = arith.constant 0 : i32
          %dma_start3A_243 = tpu.memref_slice %arg3[%add3A, %min3A_210, %dma_start3A_242] : memref<32x125x80xi32, #tpu.memory_space<hbm>> -> memref<1x1x80xi32, #tpu.memory_space<hbm>>
          %dma_start3A_244 = tpu.memref_squeeze %dma_start3A_243 : memref<1x1x80xi32, #tpu.memory_space<hbm>> -> memref<80xi32, #tpu.memory_space<hbm>>
          %dma_start3A_245 = arith.constant 0 : i32
          %dma_start3A_246 = tpu.memref_slice %arg3[%add3A, %min3A_210, %dma_start3A_245] : memref<32x125x80xi32, #tpu.memory_space<hbm>> -> memref<1x1x80xi32, #tpu.memory_space<hbm>>
          %dma_start3A_247 = tpu.memref_squeeze %dma_start3A_246 : memref<1x1x80xi32, #tpu.memory_space<hbm>> -> memref<80xi32, #tpu.memory_space<hbm>>
          tpu.enqueue_dma source(%dma_start3A_247 : memref<80xi32, #tpu.memory_space<hbm>>) target(%arg13 : memref<80xi32, #tpu.memory_space<vmem>>) target_semaphore(%arg26 : memref<!tpu.dma_semaphore, #tpu.memory_space<semaphore_mem>>)
          %dma_start3A_248 = arith.constant 0 : i32
          %dma_start3A_249 = tpu.memref_slice %arg11[%min3A_210, %dma_start3A_248] : memref<125x80xi32, #tpu.memory_space<vmem>> -> memref<1x80xi32, #tpu.memory_space<vmem>>
          %dma_start3A_250 = tpu.memref_squeeze %dma_start3A_249 : memref<1x80xi32, #tpu.memory_space<vmem>> -> memref<80xi32, #tpu.memory_space<vmem>>
          %dma_start3A_251 = arith.constant 0 : i32
          %dma_start3A_252 = arith.constant 0 : i32
          %dma_start3A_253 = tpu.memref_slice %arg7[%dma_start3A_251, %dma_start3A_252] : memref<10000x128xf32, #tpu.memory_space<hbm>> -> memref<10000x128xf32, #tpu.memory_space<hbm>>
          tpu.enqueue_indirect_dma source(%dma_start3A_253 : memref<10000x128xf32, #tpu.memory_space<hbm>>) target(%arg16 : memref<80x128xf32, #tpu.memory_space<vmem>>) offsets(%dma_start3A_250 : memref<80xi32, #tpu.memory_space<vmem>>) semaphore(%arg20 : memref<!tpu.dma_semaphore, #tpu.memory_space<semaphore_mem>>)
        } else {
        }
      } else {
      }
    }
    %scan3A_148 = arith.constant 42 : i32
    %dma_wait3A_149 = arith.constant 0 : i32
    %dma_wait3A_150 = arith.constant 0 : i32
    %dma_wait3A_151 = tpu.memref_slice %arg18[%dma_wait3A_149, %dma_wait3A_150] : memref<10112x128xf32, #tpu.memory_space<vmem_shared>> -> memref<10112x128xf32, #tpu.memory_space<vmem_shared>>
    tpu.wait_indirect_dma semaphore(%arg23 : memref<!tpu.dma_semaphore, #tpu.memory_space<semaphore_mem>>) src(%arg16 : memref<80x128xf32, #tpu.memory_space<vmem>>) dst(%dma_wait3A_151 : memref<10112x128xf32, #tpu.memory_space<vmem_shared>>)
    %barrier3A_152 = arith.constant 0 : index
    tpu.barrier barrier_id(%barrier3A_152)
    %run_scoped3A_153 = arith.constant 3 : i32
    "tpu.region"() ({
      %run_scoped3A_176 = tpu.sem_alloc : memref<!tpu.dma_semaphore, #tpu.memory_space<semaphore_mem>>
      %dma_start3A_177 = arith.constant 0 : i32
      %dma_start3A_178 = tpu.memref_slice %arg10[%run_scoped3A_153, %arg0, %multiple_of3A, %dma_start3A_177] : memref<5x2x10112x128xf32, #tpu.memory_space<hbm>> -> memref<1x1x632x128xf32, #tpu.memory_space<hbm>>
      %dma_start3A_179 = tpu.memref_squeeze %dma_start3A_178 : memref<1x1x632x128xf32, #tpu.memory_space<hbm>> -> memref<632x128xf32, #tpu.memory_space<hbm>>
      %dma_start3A_180 = arith.constant 0 : i32
      %dma_start3A_181 = tpu.memref_slice %arg18[%multiple_of3A, %dma_start3A_180] : memref<10112x128xf32, #tpu.memory_space<vmem_shared>> -> memref<632x128xf32, #tpu.memory_space<vmem_shared>>
      tpu.enqueue_dma source(%dma_start3A_181 : memref<632x128xf32, #tpu.memory_space<vmem_shared>>) target(%dma_start3A_179 : memref<632x128xf32, #tpu.memory_space<hbm>>) target_semaphore(%run_scoped3A_176 : memref<!tpu.dma_semaphore, #tpu.memory_space<semaphore_mem>>)
      %dma_wait3A_182 = arith.constant 0 : i32
      %dma_wait3A_183 = tpu.memref_slice %arg10[%run_scoped3A_153, %arg0, %multiple_of3A, %dma_wait3A_182] : memref<5x2x10112x128xf32, #tpu.memory_space<hbm>> -> memref<1x1x632x128xf32, #tpu.memory_space<hbm>>
      %dma_wait3A_184 = tpu.memref_squeeze %dma_wait3A_183 : memref<1x1x632x128xf32, #tpu.memory_space<hbm>> -> memref<632x128xf32, #tpu.memory_space<hbm>>
      %dma_wait3A_185 = arith.constant 0 : i32
      %dma_wait3A_186 = tpu.memref_slice %arg18[%multiple_of3A, %dma_wait3A_185] : memref<10112x128xf32, #tpu.memory_space<vmem_shared>> -> memref<632x128xf32, #tpu.memory_space<vmem_shared>>
      tpu.wait_dma2 semaphore(%run_scoped3A_176 : memref<!tpu.dma_semaphore, #tpu.memory_space<semaphore_mem>>) src(%dma_wait3A_186 : memref<632x128xf32, #tpu.memory_space<vmem_shared>>) dst(%dma_wait3A_184 : memref<632x128xf32, #tpu.memory_space<hbm>>)
      tpu.yield
    }) : () -> ()
    "tpu.region"() ({
      %run_scoped3A_176 = tpu.sem_alloc : memref<!tpu.dma_semaphore, #tpu.memory_space<semaphore_mem>>
      %dma_start3A_177 = arith.constant 0 : i32
      %dma_start3A_178 = tpu.memref_slice %arg18[%multiple_of3A, %dma_start3A_177] : memref<10112x128xf32, #tpu.memory_space<vmem_shared>> -> memref<632x128xf32, #tpu.memory_space<vmem_shared>>
      tpu.enqueue_dma source(%arg8 : memref<632x128xf32, #tpu.memory_space<hbm>>) target(%dma_start3A_178 : memref<632x128xf32, #tpu.memory_space<vmem_shared>>) target_semaphore(%run_scoped3A_176 : memref<!tpu.dma_semaphore, #tpu.memory_space<semaphore_mem>>)
      %dma_wait3A_179 = arith.constant 0 : i32
      %dma_wait3A_180 = tpu.memref_slice %arg18[%multiple_of3A, %dma_wait3A_179] : memref<10112x128xf32, #tpu.memory_space<vmem_shared>> -> memref<632x128xf32, #tpu.memory_space<vmem_shared>>
      tpu.wait_dma2 semaphore(%run_scoped3A_176 : memref<!tpu.dma_semaphore, #tpu.memory_space<semaphore_mem>>) src(%arg8 : memref<632x128xf32, #tpu.memory_space<hbm>>) dst(%dma_wait3A_180 : memref<632x128xf32, #tpu.memory_space<vmem_shared>>)
      tpu.yield
    }) : () -> ()
    "tpu.region"() ({
      %run_scoped3A_176 = tpu.sem_alloc : memref<!tpu.dma_semaphore, #tpu.memory_space<semaphore_mem>>
      tpu.enqueue_dma source(%arg9 : memref<80x128xf32, #tpu.memory_space<hbm>>) target(%arg17 : memref<80x128xf32, #tpu.memory_space<vmem>>) target_semaphore(%run_scoped3A_176 : memref<!tpu.dma_semaphore, #tpu.memory_space<semaphore_mem>>)
      tpu.wait_dma2 semaphore(%run_scoped3A_176 : memref<!tpu.dma_semaphore, #tpu.memory_space<semaphore_mem>>) src(%arg9 : memref<80x128xf32, #tpu.memory_space<hbm>>) dst(%arg17 : memref<80x128xf32, #tpu.memory_space<vmem>>)
      tpu.yield
    }) : () -> ()
    "tpu.region"() ({
      %run_scoped3A_176 = tpu.sem_alloc : memref<!tpu.dma_semaphore, #tpu.memory_space<semaphore_mem>>
      %dma_start3A_177 = arith.constant 0 : i32
      %dma_start3A_178 = arith.constant 0 : i32
      %dma_start3A_179 = tpu.memref_slice %arg3[%add3A, %dma_start3A_177, %dma_start3A_178] : memref<32x125x80xi32, #tpu.memory_space<hbm>> -> memref<1x125x80xi32, #tpu.memory_space<hbm>>
      %dma_start3A_180 = tpu.memref_squeeze %dma_start3A_179 : memref<1x125x80xi32, #tpu.memory_space<hbm>> -> memref<125x80xi32, #tpu.memory_space<hbm>>
      %dma_start3A_181 = arith.constant 0 : i32
      %dma_start3A_182 = arith.constant 0 : i32
      %dma_start3A_183 = tpu.memref_slice %arg3[%add3A, %dma_start3A_181, %dma_start3A_182] : memref<32x125x80xi32, #tpu.memory_space<hbm>> -> memref<1x125x80xi32, #tpu.memory_space<hbm>>
      %dma_start3A_184 = tpu.memref_squeeze %dma_start3A_183 : memref<1x125x80xi32, #tpu.memory_space<hbm>> -> memref<125x80xi32, #tpu.memory_space<hbm>>
      tpu.enqueue_dma source(%dma_start3A_184 : memref<125x80xi32, #tpu.memory_space<hbm>>) target(%arg11 : memref<125x80xi32, #tpu.memory_space<vmem>>) target_semaphore(%run_scoped3A_176 : memref<!tpu.dma_semaphore, #tpu.memory_space<semaphore_mem>>)
      %dma_wait3A_185 = arith.constant 0 : i32
      %dma_wait3A_186 = arith.constant 0 : i32
      %dma_wait3A_187 = tpu.memref_slice %arg3[%add3A, %dma_wait3A_185, %dma_wait3A_186] : memref<32x125x80xi32, #tpu.memory_space<hbm>> -> memref<1x125x80xi32, #tpu.memory_space<hbm>>
      %dma_wait3A_188 = tpu.memref_squeeze %dma_wait3A_187 : memref<1x125x80xi32, #tpu.memory_space<hbm>> -> memref<125x80xi32, #tpu.memory_space<hbm>>
      %dma_wait3A_189 = arith.constant 0 : i32
      %dma_wait3A_190 = arith.constant 0 : i32
      %dma_wait3A_191 = tpu.memref_slice %arg3[%add3A, %dma_wait3A_189, %dma_wait3A_190] : memref<32x125x80xi32, #tpu.memory_space<hbm>> -> memref<1x125x80xi32, #tpu.memory_space<hbm>>
      %dma_wait3A_192 = tpu.memref_squeeze %dma_wait3A_191 : memref<1x125x80xi32, #tpu.memory_space<hbm>> -> memref<125x80xi32, #tpu.memory_space<hbm>>
      tpu.wait_dma2 semaphore(%run_scoped3A_176 : memref<!tpu.dma_semaphore, #tpu.memory_space<semaphore_mem>>) src(%dma_wait3A_192 : memref<125x80xi32, #tpu.memory_space<hbm>>) dst(%arg11 : memref<125x80xi32, #tpu.memory_space<vmem>>)
      tpu.yield
    }) : () -> ()
    %barrier3A_154 = arith.constant 0 : index
    tpu.barrier barrier_id(%barrier3A_154)
    %scan3A_155 = arith.constant 0 : i32
    %scan3A_156 = arith.constant 63 : i32
    %scan3A_157 = arith.addi %scan3A_155, %scan3A_156 : i32
    %scan3A_158 = arith.constant 1 : i32
    scf.for %scan3A_176 = %scan3A_155 to %scan3A_157 step %scan3A_158  : i32 {
      %mul3A_177 = arith.constant 2 : i32
      %mul3A_178 = arith.muli %scan3A_176, %mul3A_177 : i32
      %add3A_179 = arith.constant 0 : i32
      %add3A_180 = arith.addi %add3A_179, %mul3A_178 : i32
      %add3A_181 = arith.constant 0 : i32
      %add3A_182 = arith.addi %add3A_180, %add3A_181 : i32
      %min3A = arith.constant 124 : i32
      %min3A_183 = arith.minsi %add3A_182, %min3A : i32
      %lt3A = arith.constant 125 : i32
      %lt3A_184 = arith.cmpi slt, %add3A_182, %lt3A : i32
      %convert_element_type3A = arith.extui %lt3A_184 : i1 to i32
      %cond3A = arith.constant 0 : i32
      %cond3A_185 = arith.cmpi ne, %convert_element_type3A, %cond3A : i32
      scf.if %cond3A_185 {
        %ge3A = arith.constant 2 : i32
        %ge3A_195 = arith.cmpi sge, %add3A_182, %ge3A : i32
        %convert_element_type3A_196 = arith.extui %ge3A_195 : i1 to i32
        %cond3A_197 = arith.constant 0 : i32
        %cond3A_198 = arith.cmpi ne, %convert_element_type3A_196, %cond3A_197 : i32
        scf.if %cond3A_198 {
          %dma_wait3A_205 = arith.constant 0 : i32
          %dma_wait3A_206 = tpu.memref_slice %arg11[%min3A_183, %dma_wait3A_205] : memref<125x80xi32, #tpu.memory_space<vmem>> -> memref<1x80xi32, #tpu.memory_space<vmem>>
          %dma_wait3A_207 = tpu.memref_squeeze %dma_wait3A_206 : memref<1x80xi32, #tpu.memory_space<vmem>> -> memref<80xi32, #tpu.memory_space<vmem>>
          %dma_wait3A_208 = arith.constant 0 : i32
          %dma_wait3A_209 = arith.constant 0 : i32
          %dma_wait3A_210 = tpu.memref_slice %arg18[%dma_wait3A_208, %dma_wait3A_209] : memref<10112x128xf32, #tpu.memory_space<vmem_shared>> -> memref<10112x128xf32, #tpu.memory_space<vmem_shared>>
          tpu.wait_indirect_dma semaphore(%arg22 : memref<!tpu.dma_semaphore, #tpu.memory_space<semaphore_mem>>) src(%arg17 : memref<80x128xf32, #tpu.memory_space<vmem>>) dst(%dma_wait3A_210 : memref<10112x128xf32, #tpu.memory_space<vmem_shared>>)
        } else {
        }
        %dma_start3A_199 = arith.constant 0 : i32
        %dma_start3A_200 = tpu.memref_slice %arg11[%min3A_183, %dma_start3A_199] : memref<125x80xi32, #tpu.memory_space<vmem>> -> memref<1x80xi32, #tpu.memory_space<vmem>>
        %dma_start3A_201 = tpu.memref_squeeze %dma_start3A_200 : memref<1x80xi32, #tpu.memory_space<vmem>> -> memref<80xi32, #tpu.memory_space<vmem>>
        %dma_start3A_202 = arith.constant 0 : i32
        %dma_start3A_203 = arith.constant 0 : i32
        %dma_start3A_204 = tpu.memref_slice %arg18[%dma_start3A_202, %dma_start3A_203] : memref<10112x128xf32, #tpu.memory_space<vmem_shared>> -> memref<10112x128xf32, #tpu.memory_space<vmem_shared>>
        tpu.enqueue_indirect_dma source(%arg17 : memref<80x128xf32, #tpu.memory_space<vmem>>) target(%dma_start3A_204 : memref<10112x128xf32, #tpu.memory_space<vmem_shared>>) offsets(%dma_start3A_201 : memref<80xi32, #tpu.memory_space<vmem>>) semaphore(%arg22 : memref<!tpu.dma_semaphore, #tpu.memory_space<semaphore_mem>>) {add = true}
      } else {
      }
      %add3A_186 = arith.constant 1 : i32
      %add3A_187 = arith.addi %add3A_180, %add3A_186 : i32
      %min3A_188 = arith.constant 124 : i32
      %min3A_189 = arith.minsi %add3A_187, %min3A_188 : i32
      %lt3A_190 = arith.constant 125 : i32
      %lt3A_191 = arith.cmpi slt, %add3A_187, %lt3A_190 : i32
      %convert_element_type3A_192 = arith.extui %lt3A_191 : i1 to i32
      %cond3A_193 = arith.constant 0 : i32
      %cond3A_194 = arith.cmpi ne, %convert_element_type3A_192, %cond3A_193 : i32
      scf.if %cond3A_194 {
        %ge3A = arith.constant 2 : i32
        %ge3A_195 = arith.cmpi sge, %add3A_187, %ge3A : i32
        %convert_element_type3A_196 = arith.extui %ge3A_195 : i1 to i32
        %cond3A_197 = arith.constant 0 : i32
        %cond3A_198 = arith.cmpi ne, %convert_element_type3A_196, %cond3A_197 : i32
        scf.if %cond3A_198 {
          %dma_wait3A_205 = arith.constant 0 : i32
          %dma_wait3A_206 = tpu.memref_slice %arg11[%min3A_189, %dma_wait3A_205] : memref<125x80xi32, #tpu.memory_space<vmem>> -> memref<1x80xi32, #tpu.memory_space<vmem>>
          %dma_wait3A_207 = tpu.memref_squeeze %dma_wait3A_206 : memref<1x80xi32, #tpu.memory_space<vmem>> -> memref<80xi32, #tpu.memory_space<vmem>>
          %dma_wait3A_208 = arith.constant 0 : i32
          %dma_wait3A_209 = arith.constant 0 : i32
          %dma_wait3A_210 = tpu.memref_slice %arg18[%dma_wait3A_208, %dma_wait3A_209] : memref<10112x128xf32, #tpu.memory_space<vmem_shared>> -> memref<10112x128xf32, #tpu.memory_space<vmem_shared>>
          tpu.wait_indirect_dma semaphore(%arg23 : memref<!tpu.dma_semaphore, #tpu.memory_space<semaphore_mem>>) src(%arg17 : memref<80x128xf32, #tpu.memory_space<vmem>>) dst(%dma_wait3A_210 : memref<10112x128xf32, #tpu.memory_space<vmem_shared>>)
        } else {
        }
        %dma_start3A_199 = arith.constant 0 : i32
        %dma_start3A_200 = tpu.memref_slice %arg11[%min3A_189, %dma_start3A_199] : memref<125x80xi32, #tpu.memory_space<vmem>> -> memref<1x80xi32, #tpu.memory_space<vmem>>
        %dma_start3A_201 = tpu.memref_squeeze %dma_start3A_200 : memref<1x80xi32, #tpu.memory_space<vmem>> -> memref<80xi32, #tpu.memory_space<vmem>>
        %dma_start3A_202 = arith.constant 0 : i32
        %dma_start3A_203 = arith.constant 0 : i32
        %dma_start3A_204 = tpu.memref_slice %arg18[%dma_start3A_202, %dma_start3A_203] : memref<10112x128xf32, #tpu.memory_space<vmem_shared>> -> memref<10112x128xf32, #tpu.memory_space<vmem_shared>>
        tpu.enqueue_indirect_dma source(%arg17 : memref<80x128xf32, #tpu.memory_space<vmem>>) target(%dma_start3A_204 : memref<10112x128xf32, #tpu.memory_space<vmem_shared>>) offsets(%dma_start3A_201 : memref<80xi32, #tpu.memory_space<vmem>>) semaphore(%arg23 : memref<!tpu.dma_semaphore, #tpu.memory_space<semaphore_mem>>) {add = true}
      } else {
      }
    }
    %scan3A_159 = arith.constant 63 : i32
    %dma_wait3A_160 = arith.constant 0 : i32
    %dma_wait3A_161 = arith.constant 0 : i32
    %dma_wait3A_162 = tpu.memref_slice %arg11[%dma_wait3A_160, %dma_wait3A_161] : memref<125x80xi32, #tpu.memory_space<vmem>> -> memref<1x80xi32, #tpu.memory_space<vmem>>
    %dma_wait3A_163 = tpu.memref_squeeze %dma_wait3A_162 : memref<1x80xi32, #tpu.memory_space<vmem>> -> memref<80xi32, #tpu.memory_space<vmem>>
    %dma_wait3A_164 = arith.constant 0 : i32
    %dma_wait3A_165 = arith.constant 0 : i32
    %dma_wait3A_166 = tpu.memref_slice %arg18[%dma_wait3A_164, %dma_wait3A_165] : memref<10112x128xf32, #tpu.memory_space<vmem_shared>> -> memref<10112x128xf32, #tpu.memory_space<vmem_shared>>
    tpu.wait_indirect_dma semaphore(%arg22 : memref<!tpu.dma_semaphore, #tpu.memory_space<semaphore_mem>>) src(%arg17 : memref<80x128xf32, #tpu.memory_space<vmem>>) dst(%dma_wait3A_166 : memref<10112x128xf32, #tpu.memory_space<vmem_shared>>)
    %dma_wait3A_167 = arith.constant 0 : i32
    %dma_wait3A_168 = arith.constant 0 : i32
    %dma_wait3A_169 = tpu.memref_slice %arg11[%dma_wait3A_167, %dma_wait3A_168] : memref<125x80xi32, #tpu.memory_space<vmem>> -> memref<1x80xi32, #tpu.memory_space<vmem>>
    %dma_wait3A_170 = tpu.memref_squeeze %dma_wait3A_169 : memref<1x80xi32, #tpu.memory_space<vmem>> -> memref<80xi32, #tpu.memory_space<vmem>>
    %dma_wait3A_171 = arith.constant 0 : i32
    %dma_wait3A_172 = arith.constant 0 : i32
    %dma_wait3A_173 = tpu.memref_slice %arg18[%dma_wait3A_171, %dma_wait3A_172] : memref<10112x128xf32, #tpu.memory_space<vmem_shared>> -> memref<10112x128xf32, #tpu.memory_space<vmem_shared>>
    tpu.wait_indirect_dma semaphore(%arg23 : memref<!tpu.dma_semaphore, #tpu.memory_space<semaphore_mem>>) src(%arg17 : memref<80x128xf32, #tpu.memory_space<vmem>>) dst(%dma_wait3A_173 : memref<10112x128xf32, #tpu.memory_space<vmem_shared>>)
    %barrier3A_174 = arith.constant 0 : index
    tpu.barrier barrier_id(%barrier3A_174)
    %run_scoped3A_175 = arith.constant 4 : i32
    "tpu.region"() ({
      %run_scoped3A_176 = tpu.sem_alloc : memref<!tpu.dma_semaphore, #tpu.memory_space<semaphore_mem>>
      %dma_start3A_177 = arith.constant 0 : i32
      %dma_start3A_178 = tpu.memref_slice %arg10[%run_scoped3A_175, %arg0, %multiple_of3A, %dma_start3A_177] : memref<5x2x10112x128xf32, #tpu.memory_space<hbm>> -> memref<1x1x632x128xf32, #tpu.memory_space<hbm>>
      %dma_start3A_179 = tpu.memref_squeeze %dma_start3A_178 : memref<1x1x632x128xf32, #tpu.memory_space<hbm>> -> memref<632x128xf32, #tpu.memory_space<hbm>>
      %dma_start3A_180 = arith.constant 0 : i32
      %dma_start3A_181 = tpu.memref_slice %arg18[%multiple_of3A, %dma_start3A_180] : memref<10112x128xf32, #tpu.memory_space<vmem_shared>> -> memref<632x128xf32, #tpu.memory_space<vmem_shared>>
      tpu.enqueue_dma source(%dma_start3A_181 : memref<632x128xf32, #tpu.memory_space<vmem_shared>>) target(%dma_start3A_179 : memref<632x128xf32, #tpu.memory_space<hbm>>) target_semaphore(%run_scoped3A_176 : memref<!tpu.dma_semaphore, #tpu.memory_space<semaphore_mem>>)
      %dma_wait3A_182 = arith.constant 0 : i32
      %dma_wait3A_183 = tpu.memref_slice %arg10[%run_scoped3A_175, %arg0, %multiple_of3A, %dma_wait3A_182] : memref<5x2x10112x128xf32, #tpu.memory_space<hbm>> -> memref<1x1x632x128xf32, #tpu.memory_space<hbm>>
      %dma_wait3A_184 = tpu.memref_squeeze %dma_wait3A_183 : memref<1x1x632x128xf32, #tpu.memory_space<hbm>> -> memref<632x128xf32, #tpu.memory_space<hbm>>
      %dma_wait3A_185 = arith.constant 0 : i32
      %dma_wait3A_186 = tpu.memref_slice %arg18[%multiple_of3A, %dma_wait3A_185] : memref<10112x128xf32, #tpu.memory_space<vmem_shared>> -> memref<632x128xf32, #tpu.memory_space<vmem_shared>>
      tpu.wait_dma2 semaphore(%run_scoped3A_176 : memref<!tpu.dma_semaphore, #tpu.memory_space<semaphore_mem>>) src(%dma_wait3A_186 : memref<632x128xf32, #tpu.memory_space<vmem_shared>>) dst(%dma_wait3A_184 : memref<632x128xf32, #tpu.memory_space<hbm>>)
      tpu.yield
    }) : () -> ()
    return
  }
}

module attributes {stable_mosaic.version = 14 : i64} {
  func.func @_powers_body(%arg0: i32, %arg1: memref<1000x128xf32, #tpu.memory_space<vmem>>, %arg2: memref<1000x128xf32, #tpu.memory_space<vmem>>, %arg3: memref<1000x128xf32, #tpu.memory_space<vmem>>) attributes {dimension_semantics = [#tpu.dimension_semantics<arbitrary>], iteration_bounds = array<i64: 10>, scalar_prefetch = 0 : i64, scratch_operands = 0 : i64, tpu.core_type = #tpu.core_type<tc>, window_params = [{transform_indices = @transform_0, window_bounds = array<i64: 1000, 128>}, {transform_indices = @transform_1, window_bounds = array<i64: 1000, 128>}, {transform_indices = @transform_2, window_bounds = array<i64: 1000, 128>}]} {
    %get3A = arith.constant 0 : index
    %get3A_0 = arith.constant 0 : index
    %get3A_1 = vector.load %arg1[%get3A, %get3A_0] : memref<1000x128xf32, #tpu.memory_space<vmem>>, vector<1000x128xf32>
    %mul3A = arith.mulf %get3A_1, %get3A_1 : vector<1000x128xf32>
    %swap3A = arith.constant 0 : index
    %swap3A_2 = arith.constant 0 : index
    %swap3A_3 = vector.load %arg2[%swap3A, %swap3A_2] : memref<1000x128xf32, #tpu.memory_space<vmem>>, vector<1000x128xf32>
    tpu.vector_store %arg2[%swap3A, %swap3A_2], %mul3A {strides = array<i32>} : memref<1000x128xf32, #tpu.memory_space<vmem>>, vector<1000x128xf32>,
    %mul3A_4 = arith.mulf %mul3A, %get3A_1 : vector<1000x128xf32>
    %swap3A_5 = arith.constant 0 : index
    %swap3A_6 = arith.constant 0 : index
    %swap3A_7 = vector.load %arg3[%swap3A_5, %swap3A_6] : memref<1000x128xf32, #tpu.memory_space<vmem>>, vector<1000x128xf32>
    tpu.vector_store %arg3[%swap3A_5, %swap3A_6], %mul3A_4 {strides = array<i32>} : memref<1000x128xf32, #tpu.memory_space<vmem>>, vector<1000x128xf32>,
    return
  }
  func.func @transform_0(%arg0: i32) -> (i32, i32) {
    %c0_i32 = arith.constant 0 : i32
    %c0_i32_0 = arith.constant 0 : i32
    return %arg0, %c0_i32 : i32, i32
  }
  func.func @transform_1(%arg0: i32) -> (i32, i32) {
    %c0_i32 = arith.constant 0 : i32
    %c0_i32_0 = arith.constant 0 : i32
    return %arg0, %c0_i32 : i32, i32
  }
  func.func @transform_2(%arg0: i32) -> (i32, i32) {
    %c0_i32 = arith.constant 0 : i32
    %c0_i32_0 = arith.constant 0 : i32
    return %arg0, %c0_i32 : i32, i32
  }
}

module attributes {stable_mosaic.version = 14 : i64} {
  func.func @_epilogue_body(%arg0: i32, %arg1: memref<2xf32, #tpu.memory_space<smem>>, %arg2: memref<5x2x1000x128xf32, #tpu.memory_space<vmem>>, %arg3: memref<1000x128xf32, #tpu.memory_space<vmem>>, %arg4: memref<128x128xf32, #tpu.memory_space<vmem>>, %arg5: memref<256x128xf32, #tpu.memory_space<vmem>>, %arg6: memref<1000x128xf32, #tpu.memory_space<vmem>>) attributes {dimension_semantics = [#tpu.dimension_semantics<arbitrary>], iteration_bounds = array<i64: 10>, scalar_prefetch = 0 : i64, scratch_operands = 0 : i64, tpu.core_type = #tpu.core_type<tc>, window_params = [{transform_indices = @transform_0, window_bounds = array<i64: 2>}, {transform_indices = @transform_1, window_bounds = array<i64: 5, 2, 1000, 128>}, {transform_indices = @transform_2, window_bounds = array<i64: 1000, 128>}, {pipeline_mode = #tpu.pipeline_mode<synchronous>, transform_indices = @transform_3, window_bounds = array<i64: 128, 128>}, {pipeline_mode = #tpu.pipeline_mode<synchronous>, transform_indices = @transform_4, window_bounds = array<i64: 256, 128>}, {transform_indices = @transform_5, window_bounds = array<i64: 1000, 128>}]} {
    %get3A = arith.constant 0 : index
    %get3A_0 = memref.load %arg1[%get3A] : memref<2xf32, #tpu.memory_space<smem>>
    %get3A_1 = arith.constant 1 : index
    %get3A_2 = memref.load %arg1[%get3A_1] : memref<2xf32, #tpu.memory_space<smem>>
    %get3A_3 = arith.constant 4 : index
    %get3A_4 = arith.constant 0 : index
    %get3A_5 = arith.constant 0 : index
    %get3A_6 = arith.constant 0 : index
    %get3A_7 = vector.load %arg2[%get3A_3, %get3A_4, %get3A_5, %get3A_6] : memref<5x2x1000x128xf32, #tpu.memory_space<vmem>>, vector<1x1x1000x1xf32>
    %get3A_8 = vector.shape_cast %get3A_7 : vector<1x1x1000x1xf32> to vector<1000x1xf32>
    %get3A_9 = arith.constant 4 : index
    %get3A_10 = arith.constant 1 : index
    %get3A_11 = arith.constant 0 : index
    %get3A_12 = arith.constant 0 : index
    %get3A_13 = vector.load %arg2[%get3A_9, %get3A_10, %get3A_11, %get3A_12] : memref<5x2x1000x128xf32, #tpu.memory_space<vmem>>, vector<1x1x1000x1xf32>
    %get3A_14 = vector.shape_cast %get3A_13 : vector<1x1x1000x1xf32> to vector<1000x1xf32>
    %add3A = arith.addf %get3A_8, %get3A_14 : vector<1000x1xf32>
    %max3A = arith.constant 1.000000e+00 : f32
    %max3A_15 = vector.broadcast %max3A : f32 to vector<1000x1xf32>
    %max3A_16 = arith.maximumf %add3A, %max3A_15 : vector<1000x1xf32>
    %div3A = arith.constant 1.000000e+00 : f32
    %div3A_17 = vector.broadcast %div3A : f32 to vector<1000x1xf32>
    %div3A_18 = arith.divf %div3A_17, %max3A_16 : vector<1000x1xf32>
    %get3A_19 = arith.constant 0 : index
    %get3A_20 = arith.constant 0 : index
    %get3A_21 = arith.constant 0 : index
    %get3A_22 = arith.constant 0 : index
    %get3A_23 = vector.load %arg2[%get3A_19, %get3A_20, %get3A_21, %get3A_22] : memref<5x2x1000x128xf32, #tpu.memory_space<vmem>>, vector<1x1x1000x128xf32>
    %get3A_24 = vector.shape_cast %get3A_23 : vector<1x1x1000x128xf32> to vector<1000x128xf32>
    %get3A_25 = arith.constant 0 : index
    %get3A_26 = arith.constant 1 : index
    %get3A_27 = arith.constant 0 : index
    %get3A_28 = arith.constant 0 : index
    %get3A_29 = vector.load %arg2[%get3A_25, %get3A_26, %get3A_27, %get3A_28] : memref<5x2x1000x128xf32, #tpu.memory_space<vmem>>, vector<1x1x1000x128xf32>
    %get3A_30 = vector.shape_cast %get3A_29 : vector<1x1x1000x128xf32> to vector<1000x128xf32>
    %add3A_31 = arith.addf %get3A_24, %get3A_30 : vector<1000x128xf32>
    %mul3A = vector.broadcast %div3A_18 : vector<1000x1xf32> to vector<1000x128xf32>
    %mul3A_32 = arith.mulf %add3A_31, %mul3A : vector<1000x128xf32>
    %get3A_33 = arith.constant 1 : index
    %get3A_34 = arith.constant 0 : index
    %get3A_35 = arith.constant 0 : index
    %get3A_36 = arith.constant 0 : index
    %get3A_37 = vector.load %arg2[%get3A_33, %get3A_34, %get3A_35, %get3A_36] : memref<5x2x1000x128xf32, #tpu.memory_space<vmem>>, vector<1x1x1000x128xf32>
    %get3A_38 = vector.shape_cast %get3A_37 : vector<1x1x1000x128xf32> to vector<1000x128xf32>
    %get3A_39 = arith.constant 1 : index
    %get3A_40 = arith.constant 1 : index
    %get3A_41 = arith.constant 0 : index
    %get3A_42 = arith.constant 0 : index
    %get3A_43 = vector.load %arg2[%get3A_39, %get3A_40, %get3A_41, %get3A_42] : memref<5x2x1000x128xf32, #tpu.memory_space<vmem>>, vector<1x1x1000x128xf32>
    %get3A_44 = vector.shape_cast %get3A_43 : vector<1x1x1000x128xf32> to vector<1000x128xf32>
    %add3A_45 = arith.addf %get3A_38, %get3A_44 : vector<1000x128xf32>
    %mul3A_46 = vector.broadcast %div3A_18 : vector<1000x1xf32> to vector<1000x128xf32>
    %mul3A_47 = arith.mulf %add3A_45, %mul3A_46 : vector<1000x128xf32>
    %get3A_48 = arith.constant 2 : index
    %get3A_49 = arith.constant 0 : index
    %get3A_50 = arith.constant 0 : index
    %get3A_51 = arith.constant 0 : index
    %get3A_52 = vector.load %arg2[%get3A_48, %get3A_49, %get3A_50, %get3A_51] : memref<5x2x1000x128xf32, #tpu.memory_space<vmem>>, vector<1x1x1000x128xf32>
    %get3A_53 = vector.shape_cast %get3A_52 : vector<1x1x1000x128xf32> to vector<1000x128xf32>
    %get3A_54 = arith.constant 2 : index
    %get3A_55 = arith.constant 1 : index
    %get3A_56 = arith.constant 0 : index
    %get3A_57 = arith.constant 0 : index
    %get3A_58 = vector.load %arg2[%get3A_54, %get3A_55, %get3A_56, %get3A_57] : memref<5x2x1000x128xf32, #tpu.memory_space<vmem>>, vector<1x1x1000x128xf32>
    %get3A_59 = vector.shape_cast %get3A_58 : vector<1x1x1000x128xf32> to vector<1000x128xf32>
    %add3A_60 = arith.addf %get3A_53, %get3A_59 : vector<1000x128xf32>
    %mul3A_61 = vector.broadcast %div3A_18 : vector<1000x1xf32> to vector<1000x128xf32>
    %mul3A_62 = arith.mulf %add3A_60, %mul3A_61 : vector<1000x128xf32>
    %get3A_63 = arith.constant 3 : index
    %get3A_64 = arith.constant 0 : index
    %get3A_65 = arith.constant 0 : index
    %get3A_66 = arith.constant 0 : index
    %get3A_67 = vector.load %arg2[%get3A_63, %get3A_64, %get3A_65, %get3A_66] : memref<5x2x1000x128xf32, #tpu.memory_space<vmem>>, vector<1x1x1000x128xf32>
    %get3A_68 = vector.shape_cast %get3A_67 : vector<1x1x1000x128xf32> to vector<1000x128xf32>
    %get3A_69 = arith.constant 3 : index
    %get3A_70 = arith.constant 1 : index
    %get3A_71 = arith.constant 0 : index
    %get3A_72 = arith.constant 0 : index
    %get3A_73 = vector.load %arg2[%get3A_69, %get3A_70, %get3A_71, %get3A_72] : memref<5x2x1000x128xf32, #tpu.memory_space<vmem>>, vector<1x1x1000x128xf32>
    %get3A_74 = vector.shape_cast %get3A_73 : vector<1x1x1000x128xf32> to vector<1000x128xf32>
    %add3A_75 = arith.addf %get3A_68, %get3A_74 : vector<1000x128xf32>
    %mul3A_76 = vector.broadcast %div3A_18 : vector<1000x1xf32> to vector<1000x128xf32>
    %mul3A_77 = arith.mulf %add3A_75, %mul3A_76 : vector<1000x128xf32>
    %sub3A = arith.constant 1.000000e+00 : f32
    %sub3A_78 = arith.subf %sub3A, %get3A_2 : f32
    %mul3A_79 = vector.broadcast %sub3A_78 : f32 to vector<1000x128xf32>
    %mul3A_80 = arith.mulf %mul3A_79, %mul3A_32 : vector<1000x128xf32>
    %get3A_81 = arith.constant 0 : index
    %get3A_82 = arith.constant 0 : index
    %get3A_83 = vector.load %arg3[%get3A_81, %get3A_82] : memref<1000x128xf32, #tpu.memory_space<vmem>>, vector<1000x128xf32>
    %mul3A_84 = vector.broadcast %get3A_2 : f32 to vector<1000x128xf32>
    %mul3A_85 = arith.mulf %mul3A_84, %get3A_83 : vector<1000x128xf32>
    %add3A_86 = arith.addf %mul3A_80, %mul3A_85 : vector<1000x128xf32>
    %get3A_87 = arith.constant 0 : index
    %get3A_88 = arith.constant 0 : index
    %get3A_89 = vector.load %arg4[%get3A_87, %get3A_88] : memref<128x128xf32, #tpu.memory_space<vmem>>, vector<128x128xf32>
    %dot_general3A = arith.constant dense<0.000000e+00> : vector<1000x128xf32>
    %dot_general3A_90 = tpu.matmul %add3A_86, %get3A_89, %dot_general3A {dimension_numbers = #tpu.dot_dimension_numbers<[1], [0], [0], [1], [0, 0, 1, 1], [], []>, transpose_lhs_hint = false} : vector<1000x128xf32>, vector<128x128xf32>, vector<1000x128xf32> -> vector<1000x128xf32>
    %mul3A_91 = vector.broadcast %get3A_0 : f32 to vector<1000x128xf32>
    %mul3A_92 = arith.mulf %mul3A_91, %dot_general3A_90 : vector<1000x128xf32>
    %sub3A_93 = arith.constant 1.000000e+00 : f32
    %sub3A_94 = arith.subf %sub3A_93, %get3A_0 : f32
    %mul3A_95 = vector.broadcast %sub3A_94 : f32 to vector<1000x128xf32>
    %mul3A_96 = arith.mulf %mul3A_95, %add3A_86 : vector<1000x128xf32>
    %add3A_97 = arith.addf %mul3A_92, %mul3A_96 : vector<1000x128xf32>
    %eq3A = arith.constant 0.000000e+00 : f32
    %eq3A_98 = vector.broadcast %eq3A : f32 to vector<1000x128xf32>
    %eq3A_99 = arith.cmpf oeq, %mul3A_62, %eq3A_98 : vector<1000x128xf32>
    %jit3A = arith.constant 1.000000e-16 : f32
    %broadcast_in_dim3A = vector.broadcast %jit3A : f32 to vector<1000x128xf32>
    %select_n3A = arith.select %eq3A_99, %broadcast_in_dim3A, %mul3A_62 : vector<1000x128xi1>, vector<1000x128xf32>
    %sqrt3A = math.sqrt %select_n3A : vector<1000x128xf32>
    %eq3A_100 = arith.constant 0.000000e+00 : f32
    %eq3A_101 = vector.broadcast %eq3A_100 : f32 to vector<1000x128xf32>
    %eq3A_102 = arith.cmpf oeq, %mul3A_77, %eq3A_101 : vector<1000x128xf32>
    %jit3A_103 = arith.constant 1.000000e-16 : f32
    %broadcast_in_dim3A_104 = vector.broadcast %jit3A_103 : f32 to vector<1000x128xf32>
    %select_n3A_105 = arith.select %eq3A_102, %broadcast_in_dim3A_104, %mul3A_77 : vector<1000x128xi1>, vector<1000x128xf32>
    %lt3A = arith.constant 0.000000e+00 : f32
    %lt3A_106 = vector.broadcast %lt3A : f32 to vector<1000x128xf32>
    %lt3A_107 = arith.cmpf olt, %select_n3A_105, %lt3A_106 : vector<1000x128xf32>
    %abs3A = math.absf %select_n3A_105 : vector<1000x128xf32>
    %log3A = math.log %abs3A : vector<1000x128xf32>
    %mul3A_108 = arith.constant 0.333333343 : f32
    %mul3A_109 = vector.broadcast %mul3A_108 : f32 to vector<1000x128xf32>
    %mul3A_110 = arith.mulf %log3A, %mul3A_109 : vector<1000x128xf32>
    %exp3A = math.exp %mul3A_110 : vector<1000x128xf32>
    %neg3A = arith.constant 0.000000e+00 : f32
    %neg3A_111 = vector.broadcast %neg3A : f32 to vector<1000x128xf32>
    %neg3A_112 = arith.subf %neg3A_111, %exp3A : vector<1000x128xf32>
    %select_n3A_113 = arith.select %lt3A_107, %neg3A_112, %exp3A : vector<1000x128xi1>, vector<1000x128xf32>
    %get3A_114 = arith.constant 0 : index
    %get3A_115 = arith.constant 0 : index
    %get3A_116 = vector.load %arg5[%get3A_114, %get3A_115] : memref<256x128xf32, #tpu.memory_space<vmem>>, vector<128x128xf32>
    %get3A_117 = arith.constant 128 : index
    %get3A_118 = arith.constant 0 : index
    %get3A_119 = vector.load %arg5[%get3A_117, %get3A_118] : memref<256x128xf32, #tpu.memory_space<vmem>>, vector<128x128xf32>
    %dot_general3A_120 = arith.constant dense<0.000000e+00> : vector<1000x128xf32>
    %dot_general3A_121 = tpu.matmul %add3A_97, %get3A_119, %dot_general3A_120 {dimension_numbers = #tpu.dot_dimension_numbers<[1], [0], [0], [1], [0, 0, 1, 1], [], []>, transpose_lhs_hint = false} : vector<1000x128xf32>, vector<128x128xf32>, vector<1000x128xf32> -> vector<1000x128xf32>
    %dot_general3A_122 = arith.constant dense<0.000000e+00> : vector<1000x128xf32>
    %dot_general3A_123 = tpu.matmul %mul3A_47, %get3A_116, %dot_general3A_122 {dimension_numbers = #tpu.dot_dimension_numbers<[1], [0], [0], [1], [0, 0, 1, 1], [], []>, transpose_lhs_hint = false} : vector<1000x128xf32>, vector<128x128xf32>, vector<1000x128xf32> -> vector<1000x128xf32>
    %add3A_124 = arith.addf %dot_general3A_123, %dot_general3A_121 : vector<1000x128xf32>
    %gt3A = arith.constant 0.000000e+00 : f32
    %gt3A_125 = vector.broadcast %gt3A : f32 to vector<1000x128xf32>
    %gt3A_126 = arith.cmpf ogt, %add3A_124, %gt3A_125 : vector<1000x128xf32>
    %min3A = arith.constant 0.000000e+00 : f32
    %min3A_127 = vector.broadcast %min3A : f32 to vector<1000x128xf32>
    %min3A_128 = arith.minimumf %add3A_124, %min3A_127 : vector<1000x128xf32>
    %exp3A_129 = math.exp %min3A_128 : vector<1000x128xf32>
    %sub3A_130 = arith.constant 1.000000e+00 : f32
    %sub3A_131 = vector.broadcast %sub3A_130 : f32 to vector<1000x128xf32>
    %sub3A_132 = arith.subf %exp3A_129, %sub3A_131 : vector<1000x128xf32>
    %select_n3A_133 = arith.select %gt3A_126, %add3A_124, %sub3A_132 : vector<1000x128xi1>, vector<1000x128xf32>
    %dot_general3A_134 = arith.constant dense<0.000000e+00> : vector<1000x128xf32>
    %dot_general3A_135 = tpu.matmul %sqrt3A, %get3A_116, %dot_general3A_134 {dimension_numbers = #tpu.dot_dimension_numbers<[1], [0], [0], [1], [0, 0, 1, 1], [], []>, transpose_lhs_hint = false} : vector<1000x128xf32>, vector<128x128xf32>, vector<1000x128xf32> -> vector<1000x128xf32>
    %add3A_136 = arith.addf %dot_general3A_135, %dot_general3A_121 : vector<1000x128xf32>
    %gt3A_137 = arith.constant 0.000000e+00 : f32
    %gt3A_138 = vector.broadcast %gt3A_137 : f32 to vector<1000x128xf32>
    %gt3A_139 = arith.cmpf ogt, %add3A_136, %gt3A_138 : vector<1000x128xf32>
    %min3A_140 = arith.constant 0.000000e+00 : f32
    %min3A_141 = vector.broadcast %min3A_140 : f32 to vector<1000x128xf32>
    %min3A_142 = arith.minimumf %add3A_136, %min3A_141 : vector<1000x128xf32>
    %exp3A_143 = math.exp %min3A_142 : vector<1000x128xf32>
    %sub3A_144 = arith.constant 1.000000e+00 : f32
    %sub3A_145 = vector.broadcast %sub3A_144 : f32 to vector<1000x128xf32>
    %sub3A_146 = arith.subf %exp3A_143, %sub3A_145 : vector<1000x128xf32>
    %select_n3A_147 = arith.select %gt3A_139, %add3A_136, %sub3A_146 : vector<1000x128xi1>, vector<1000x128xf32>
    %dot_general3A_148 = arith.constant dense<0.000000e+00> : vector<1000x128xf32>
    %dot_general3A_149 = tpu.matmul %select_n3A_113, %get3A_116, %dot_general3A_148 {dimension_numbers = #tpu.dot_dimension_numbers<[1], [0], [0], [1], [0, 0, 1, 1], [], []>, transpose_lhs_hint = false} : vector<1000x128xf32>, vector<128x128xf32>, vector<1000x128xf32> -> vector<1000x128xf32>
    %add3A_150 = arith.addf %dot_general3A_149, %dot_general3A_121 : vector<1000x128xf32>
    %gt3A_151 = arith.constant 0.000000e+00 : f32
    %gt3A_152 = vector.broadcast %gt3A_151 : f32 to vector<1000x128xf32>
    %gt3A_153 = arith.cmpf ogt, %add3A_150, %gt3A_152 : vector<1000x128xf32>
    %min3A_154 = arith.constant 0.000000e+00 : f32
    %min3A_155 = vector.broadcast %min3A_154 : f32 to vector<1000x128xf32>
    %min3A_156 = arith.minimumf %add3A_150, %min3A_155 : vector<1000x128xf32>
    %exp3A_157 = math.exp %min3A_156 : vector<1000x128xf32>
    %sub3A_158 = arith.constant 1.000000e+00 : f32
    %sub3A_159 = vector.broadcast %sub3A_158 : f32 to vector<1000x128xf32>
    %sub3A_160 = arith.subf %exp3A_157, %sub3A_159 : vector<1000x128xf32>
    %select_n3A_161 = arith.select %gt3A_153, %add3A_150, %sub3A_160 : vector<1000x128xi1>, vector<1000x128xf32>
    %max3A_162 = arith.maximumf %select_n3A_133, %select_n3A_147 : vector<1000x128xf32>
    %max3A_163 = arith.maximumf %max3A_162, %select_n3A_161 : vector<1000x128xf32>
    %sub3A_164 = arith.subf %select_n3A_133, %max3A_163 : vector<1000x128xf32>
    %exp3A_165 = math.exp %sub3A_164 : vector<1000x128xf32>
    %sub3A_166 = arith.subf %select_n3A_147, %max3A_163 : vector<1000x128xf32>
    %exp3A_167 = math.exp %sub3A_166 : vector<1000x128xf32>
    %sub3A_168 = arith.subf %select_n3A_161, %max3A_163 : vector<1000x128xf32>
    %exp3A_169 = math.exp %sub3A_168 : vector<1000x128xf32>
    %mul3A_170 = arith.mulf %exp3A_165, %mul3A_47 : vector<1000x128xf32>
    %mul3A_171 = arith.mulf %exp3A_167, %sqrt3A : vector<1000x128xf32>
    %add3A_172 = arith.addf %mul3A_170, %mul3A_171 : vector<1000x128xf32>
    %mul3A_173 = arith.mulf %exp3A_169, %select_n3A_113 : vector<1000x128xf32>
    %add3A_174 = arith.addf %add3A_172, %mul3A_173 : vector<1000x128xf32>
    %add3A_175 = arith.addf %exp3A_165, %exp3A_167 : vector<1000x128xf32>
    %add3A_176 = arith.addf %add3A_175, %exp3A_169 : vector<1000x128xf32>
    %div3A_177 = arith.divf %add3A_174, %add3A_176 : vector<1000x128xf32>
    %mul3A_178 = arith.constant 0.899999976 : f32
    %mul3A_179 = vector.broadcast %mul3A_178 : f32 to vector<1000x128xf32>
    %mul3A_180 = arith.mulf %mul3A_179, %add3A_97 : vector<1000x128xf32>
    %mul3A_181 = arith.constant 1.000000e-01 : f32
    %mul3A_182 = vector.broadcast %mul3A_181 : f32 to vector<1000x128xf32>
    %mul3A_183 = arith.mulf %mul3A_182, %div3A_177 : vector<1000x128xf32>
    %add3A_184 = arith.addf %mul3A_180, %mul3A_183 : vector<1000x128xf32>
    %swap3A = arith.constant 0 : index
    %swap3A_185 = arith.constant 0 : index
    %swap3A_186 = vector.load %arg6[%swap3A, %swap3A_185] : memref<1000x128xf32, #tpu.memory_space<vmem>>, vector<1000x128xf32>
    tpu.vector_store %arg6[%swap3A, %swap3A_185], %add3A_184 {strides = array<i32>} : memref<1000x128xf32, #tpu.memory_space<vmem>>, vector<1000x128xf32>,
    return
  }
  func.func @transform_0(%arg0: i32) -> i32 {
    %c0_i32 = arith.constant 0 : i32
    %c0_i32_0 = arith.constant 0 : i32
    return %c0_i32 : i32
  }
  func.func @transform_1(%arg0: i32) -> (i32, i32, i32, i32) {
    %c0_i32 = arith.constant 0 : i32
    %c0_i32_0 = arith.constant 0 : i32
    %c0_i32_1 = arith.constant 0 : i32
    %c0_i32_2 = arith.constant 0 : i32
    return %c0_i32, %c0_i32_0, %arg0, %c0_i32_1 : i32, i32, i32, i32
  }
  func.func @transform_2(%arg0: i32) -> (i32, i32) {
    %c0_i32 = arith.constant 0 : i32
    %c0_i32_0 = arith.constant 0 : i32
    return %arg0, %c0_i32 : i32, i32
  }
  func.func @transform_3(%arg0: i32) -> (i32, i32) {
    %c0_i32 = arith.constant 0 : i32
    %c0_i32_0 = arith.constant 0 : i32
    %c0_i32_1 = arith.constant 0 : i32
    return %c0_i32, %c0_i32_0 : i32, i32
  }
  func.func @transform_4(%arg0: i32) -> (i32, i32) {
    %c0_i32 = arith.constant 0 : i32
    %c0_i32_0 = arith.constant 0 : i32
    %c0_i32_1 = arith.constant 0 : i32
    return %c0_i32, %c0_i32_0 : i32, i32
  }
  func.func @transform_5(%arg0: i32) -> (i32, i32) {
    %c0_i32 = arith.constant 0 : i32
    %c0_i32_0 = arith.constant 0 : i32
    return %arg0, %c0_i32 : i32, i32
  }
}

</mosaic_0001>

<sc_bundles>
// kernel: kernel.5.cloned.1.call-start
scs
__scs_entry_jumppad:
0x0: {  	(pc) =	sbr.rel $0x88, $3  }
0x1: {  	(tag) =	ssettag $0x0;
	lr =	simm.s32 $0x1  }
0x2: {  	[smem:$0x3F99] =	sst lr;
	_ =	strace $0xD0000000  }
0x3: {  	_ = 	snop  }
0x4: {  	_ = 	snop  }
0x5: {  	_ = 	snop  }
0x6: {  	_ = 	snop  }
0x7: {  	_ = 	snop  }
__scs_overlays_trampoline_lowered:
0x8: {  	[smem:$0x3FA8] =	sst s0  }
0x9: {  	[smem:$0x3FA9] =	sst s1  }
0xa: {  	[smem:$0x3FAA] =	sst s2  }
0xb: {  	[smem:$0x3FAB] =	sst s3  }
0xc: {  	[smem:$0x3FAC] =	sst s4  }
0xd: {  	[smem:$0x3FAD] =	sst s5  }
0xe: {  	[smem:$0x3FAE] =	sst s6  }
0xf: {  	[smem:$0x3FAF] =	sst s7  }
0x10: {  	[smem:$0x3FB0] =	sst s8  }
0x11: {  	[smem:$0x3FB1] =	sst s9;
	s0 =	simm.s32 @!p0 $0x0  }
0x12: {  	s1 =	sld [smem:$0x3F97];
	s0 =	simm.s32 @p0 $0x1  }
0x13: {  	[smem:$0x3FB2] =	sst s0;
	s0 =	simm.s32 @!p1 $0x0  }
0x14: {  	s2 =	sld [smem:$0x3F96];
	s0 =	simm.s32 @p1 $0x1  }
0x15: {  	[smem:$0x3FB3] =	sst s0;
	s0 =	simm.s32 @!p2 $0x0  }
0x16: {  	s3 =	sld [smem:$0x3FDB];
	s0 =	simm.s32 @p2 $0x1  }
0x17: {  	s4 =	simm.s32 $0x1BF5;
	[smem:$0x3FB5] =	sst s0  }
0x18: {  	s0 =	sld [smem:$0x3F98];
	_ =	swait.ge [sflag:s4], $0x0  }
0x19: {  	s7 =	sld [smem:$0x3F99]  }
0x1a: {  	s8 =	sadd.s32 $0xFFFFE003, lr  }
0x1b: {  	s9 =	sadd.s32 $0xFFFFFEF7, lr;
	s5 =	simm.s32 $0xFFFFFFFF;
	p2 =	slt.u32 s8, $0xFFFFF086  }
0x1c: {  	p1 =	slt.u32 s9, $0xF7A;
	s5 =	simm.s32 @!p2 $0x0  }
0x1d: {  	s5 =	simm.s32 @p1 $0x1;
	p0 =	seq.s32 s7, s2  }
0x1e: {  	s7 =	smul.u32 @!p0 $0xF7A, s2;
	p2 =	seq.s32 @!p0 s5, $0x0  }
0x1f: {  	s9 =	smul.u32 $0xF7A, s1;
	s8 =	simm.s32 @!p0 $0x1BF5;
	p2 =	por !p2, p0  }
0x20: {  	[sflag:s8] =	ssyncset.s32 @!p0 $0xFFFFF086;
	s6 =	sadd.s32 @!p0 s3, s7;
	s7 =	simm.s32 @!p0 $0x108  }
0x21: {  	s3 =	sadd.s32 s3, s9;
	s6 =	sadd.s32 @!p0 $0x88, s6;
	s7 =	simm.s32 @p2 $0x1082  }
0x22: {  	[simem:s7], [sflag:s8] =	dma.local @!p0 [hbm:s6], $0xF7A  }
0x23: {  	s9 =	sor.u32 $0xD0000000, s2;
	s6 =	simm.s32 $0x108;
	_ =	swait.ge @!p0 [sflag:s8], $0x0  }
0x24: {  	s3 =	sadd.s32 $0x88, s3;
	s6 =	simm.s32 @!p1 $0x1082;
	[sflag:s4] =	ssyncset.s32 $0xFFFFF086  }
0x25: {  	[simem:s6], [sflag:s4] =	dma.local [hbm:s3], $0xF7A  }
0x26: {  	[smem:$0x3F99] =	sst s1;
	(tag) =	ssettag s2;
	_ =	strace s9  }
0x27: {  	s1 =	sld [smem:$0x3FA9]  }
0x28: {  	s2 =	sld [smem:$0x3FAA]  }
0x29: {  	s4 =	sld [smem:$0x3FAC]  }
0x2a: {  	p0 =	seq.s32 s5, $0x0;
	s5 =	sld [smem:$0x3FAD]  }
0x2b: {  	s6 =	sld [smem:$0x3FAE]  }
0x2c: {  	s7 =	sld [smem:$0x3FAF]  }
0x2d: {  	s3 =	simm.s32 $0x108;
	s8 =	sld [smem:$0x3FB0]  }
0x2e: {  	s3 =	simm.s32 @!p0 $0x1082;
	s9 =	sld [smem:$0x3FB1]  }
0x2f: {  	lr =	sadd.s32 s0, s3;
	s0 =	sld [smem:$0x3FA8]  }
0x30: {  	s3 =	sld [smem:$0x3FAB]  }
0x31: {  	[smem:$0x3FB4] =	sst s10  }
0x32: {  	s10 =	sld [smem:$0x3FB2];
	_ =	sdelay $0x3  }
0x33: {  	p0 =	seq.s32 s10, $0x1;
	s10 =	sld [smem:$0x3FB4];
	_ =	sdelay $0x3  }
0x34: {  	[smem:$0x3FB4] =	sst s10  }
0x35: {  	s10 =	sld [smem:$0x3FB3];
	_ =	sdelay $0x3  }
0x36: {  	p1 =	seq.s32 s10, $0x1;
	s10 =	sld [smem:$0x3FB4];
	_ =	sdelay $0x3  }
0x37: {  	[smem:$0x3FB4] =	sst s10  }
0x38: {  	s10 =	sld [smem:$0x3FB5]  }
0x39: {  	_ = 	snop;
	(pc) =	sbr.ind lr, $3  }
0x3a: {  	_ = 	snop  }
0x3b: {  	_ = 	snop  }
0x3c: {  	p2 =	seq.s32 s10, $0x1;
	s10 =	sld [smem:$0x3FB4]  }
0x3d: {  	_ =	shalt  }
0x3e: {  	_ =	shalt  }
0x3f: {  	_ =	shalt  }
0x40: {  	_ =	shalt  }
0x41: {  	_ =	shalt  }
0x42: {  	_ =	shalt  }
0x43: {  	_ =	shalt  }
0x44: {  	_ =	shalt  }
0x45: {  	_ =	shalt  }
0x46: {  	_ =	shalt  }
0x47: {  	_ =	shalt  }
0x48: {  	_ =	shalt  }
0x49: {  	_ =	shalt  }
0x4a: {  	_ =	shalt  }
0x4b: {  	_ =	shalt  }
0x4c: {  	_ =	shalt  }
0x4d: {  	_ =	shalt  }
0x4e: {  	_ =	shalt  }
0x4f: {  	_ =	shalt  }
0x50: {  	_ =	shalt  }
0x51: {  	_ =	shalt  }
0x52: {  	_ =	shalt  }
0x53: {  	_ =	shalt  }
0x54: {  	_ =	shalt  }
0x55: {  	_ =	shalt  }
0x56: {  	_ =	shalt  }
0x57: {  	_ =	shalt  }
0x58: {  	_ =	shalt  }
0x59: {  	_ =	shalt  }
0x5a: {  	_ =	shalt  }
0x5b: {  	_ =	shalt  }
0x5c: {  	_ =	shalt  }
0x5d: {  	_ =	shalt  }
0x5e: {  	_ =	shalt  }
0x5f: {  	_ =	shalt  }
0x60: {  	_ =	shalt  }
0x61: {  	_ =	shalt  }
0x62: {  	_ =	shalt  }
0x63: {  	_ =	shalt  }
0x64: {  	_ =	shalt  }
0x65: {  	_ =	shalt  }
0x66: {  	_ =	shalt  }
0x67: {  	_ =	shalt  }
0x68: {  	_ =	shalt  }
0x69: {  	_ =	shalt  }
0x6a: {  	_ =	shalt  }
0x6b: {  	_ =	shalt  }
0x6c: {  	_ =	shalt  }
0x6d: {  	_ =	shalt  }
0x6e: {  	_ =	shalt  }
0x6f: {  	_ =	shalt  }
0x70: {  	_ =	shalt  }
0x71: {  	_ =	shalt  }
0x72: {  	_ =	shalt  }
0x73: {  	_ =	shalt  }
0x74: {  	_ =	shalt  }
0x75: {  	_ =	shalt  }
0x76: {  	_ =	shalt  }
0x77: {  	_ =	shalt  }
0x78: {  	_ =	shalt  }
0x79: {  	_ =	shalt  }
0x7a: {  	_ =	shalt  }
0x7b: {  	_ =	shalt  }
0x7c: {  	_ =	shalt  }
0x7d: {  	_ =	shalt  }
0x7e: {  	_ =	shalt  }
0x7f: {  	_ =	shalt  }
0x80: {  	_ =	shalt  }
0x81: {  	_ =	shalt  }
0x82: {  	_ =	shalt  }
0x83: {  	_ =	shalt  }
0x84: {  	_ =	shalt  }
0x85: {  	_ =	shalt  }
0x86: {  	_ =	shalt  }
0x87: {  	_ =	shalt  }
.Lfunc_end0:
.L_simem_size_0:
called_computation_lowered:
.L_overlay_start_0:
0x88: {  	s2 =	sld [smem:$0x3FD9]  }
0x89: {  	s3 =	sld [smem:$0x3FFE];
	_ =	sdelay $0x1  }
0x8a: {  	s1 =	srdreg.scid  }
0x8b: {  	s0 =	sand.u32 $0x1, s1  }
0x8c: {  	s17 =	sshll.u32 s0, $0xA;
	s2 =	sadd.s32 s3, s2  }
0x8d: {  	s2 =	sadd.s32 s2, s17  }
0x8e: {  	[smem:$0x3FC0] =	sst s2  }
0x8f: {  	_ = 	snop  }
0x90: {  	s2 =	sld [smem:$0x3FC9]  }
0x91: {  	s18 =	sld [smem:$0x3FC7]  }
0x92: {  	s4 =	sld [smem:$0x3FD0];
	(tm) =	ssettm $0x1  }
0x93: {  	s5 =	sld [smem:$0x3FFB];
	_ =	sdelay $0x3  }
0x94: {  	_ =	strace s5  }
0x95: {  	s5 =	sld [smem:$0x3FFC];
	_ =	sdelay $0x3  }
0x96: {  	_ =	strace s5  }
0x97: {  	s5 =	sld [smem:$0x3FFD];
	_ =	sdelay $0x3  }
0x98: {  	_ =	strace s5  }
0x99: {  	_ =	strace $0x8FFFFFFF  }
0x9a: {  	s19 =	sld [smem:$0x3FDB];
	_ =	sdelay $0x1  }
0x9b: {  	s6 =	simm.s32 $_scs_section_size  }
0x9c: {  	s7 =	simm.s32 $_size__tile_overlayer_lowered;
	s8 =	simm.s32 $_tile_overlayer_lowered  }
0x9d: {  	s22 =	simm.s32 $0x1BFF;
	s21 =	sshll.u32 s8, $0x1;
	s5 =	sadd.s32 s6, s19  }
0x9e: {  	s9 =	simm.s32 $0x0;
	s20 =	sshll.u32 s7, $0x1;
	s7 =	sadd.s32 s21, s5  }
0x9f: {  	[timem:s9], [sflag:s22] =	dma.local [hbm:s7], s20  }
0xa0: {  	_ =	swait.ge [sflag:s22], s20  }
0xa1: {  	s6 =	ssub.s32 $0x0, s20;
	[sflag:s22] =	ssyncset.done $0x0  }
0xa2: {  	[sflag:s22] =	ssyncadd.s32 s6;
	_ =	sdelay $0x1  }
0xa3: {  	s23 =	simm.s32 $0x1B8B  }
0xa4: {  	_ =	swait.ge [sflag:s23], $0x1  }
0xa5: {  	[sflag:s23] =	ssyncset.done $0x0  }
0xa6: {  	s25 =	simm.s32 $0x1B8E;
	s24 =	sld [smem:$0x3FFE];
	[sflag:s23] =	ssyncadd.s32 $0xFFFFFFFF  }
0xa7: {  	s26 =	simm.s32 $execute0_lowered;
	[smem:$0x3FD2] =	sst s25  }
0xa8: {  	s7 =	sshll.u32 s26, $0x1;
	_ =	strace $0x80000046;
	[dreg:$0x1] =	wrdreg $0xFFFFFFFF  }
0xa9: {  	s28 =	simm.s32 $_size_execute0_lowered;
	s5 =	sadd.s32 s5, s7;
	[dreg:$0x0] =	wrdreg $0x0  }
0xaa: {  	s7 =	sshll.u32 s28, $0x1;
	[dreg:$0x2] =	wrdreg s5  }
0xab: {  	[dreg:$0x3] =	wrdreg s7  }
0xac: {  	[dreg:$0x4] =	wrdreg $0xC0  }
0xad: {  	_ =	task [dreg:s9], $0x5FFFF  }
0xae: {  	[dreg:$0x1] =	wrdreg $0xFFFFFFFF  }
0xaf: {  	[dreg:$0x0] =	wrdreg $0x60  }
0xb0: {  	[dreg:$0x2] =	wrdreg s24  }
0xb1: {  	[dreg:$0x3] =	wrdreg s2  }
0xb2: {  	[dreg:$0x4] =	wrdreg s18  }
0xb3: {  	[dreg:$0x5] =	wrdreg s4  }
0xb4: {  	[dreg:$0x6] =	wrdreg $0xB9800  }
0xb5: {  	[dreg:$0x7] =	wrdreg $0x9  }
0xb6: {  	_ =	task.clear_ibuf [dreg:s9], $0x8FFFF;
	_ =	strace $0x90000046  }
0xb7: {  	s29 =	simm.s32 $0x9;
	_ =	strace $0x80000048  }
0xb8: {  	_ =	swait.ge [sflag:s29], $0x1  }
0xb9: {  	[sflag:s29] =	ssyncadd.s32 $0xFFFFFFFF  }
0xba: {  	_ =	strace $0x90000048  }
0xbb: {  	_ =	sfence  }
0xbc: {  	s30 =	sld [smem:$0x0];
	_ =	sdelay $0x2  }
0xbd: {  	s31 =	sshll.u32 s1, $0xD;
	s1 =	sshrl.u32 s1, $0x2  }
0xbe: {  	s3 =	sand.u32 $0x4000, s31;
	s1 =	sadd.s32 s1, s30  }
0xbf: {  	s0 =	sor.u32 s3, s0;
	s1 =	sshll.u32 s1, $0x11  }
0xc0: {  	s0 =	sor.u32 s1, s0  }
0xc1: {  	s0 =	sadd.s32 $0x8F2B, s0  }
0xc2: {  	[sflag:s0] =	ssyncadd.remote.s32 $0x1  }
0xc3: {  	_ =	sfence.sel $0xFFFF  }
0xc4: {  	[dreg:$0x0] =	wrdreg $0xFFFFFFFF;
	(pc) =	sbr.abs _section_cstart, $3  }
0xc5: {  	[dreg:$0x1] =	wrdreg $0xFFFFFFFF  }
0xc6: {  	_ =	task.clear_ibuf [dreg:s9], $0x2FFFF;
	_ =	strace $0x9FFFFFFF  }
0xc7: {  	(tm) =	ssettm $0x7FFFFFFF  }
tec
execute0_lowered:
.L_overlay_start_1:
0x0: {  	(tag) =	ssettag $0x1  }
0x1: {  	s0 =	rddreg [dreg:$0x0]  }
0x2: {  	s1 =	rddreg [dreg:$0x1]  }
0x3: {  	s2 =	rddreg [dreg:$0x2]  }
0x4: {  	s4 =	rddreg [dreg:$0x3]  }
0x5: {  	s5 =	rddreg [dreg:$0x4]  }
0x6: {  	s3 =	srdreg.scid;
	s10 =	stileid.u32;
	s6 =	simm.s32 $0x0  }
0x7: {  	s28 =	simm.s32 $0x4180;
	s30 =	simm.s32 $0x6980;
	s31 =	simm.s32 $0x7  }
0x8: {  	s17 =	simm.s32 $0x9;
	s3 =	sand.u32 $0x1, s3;
	s8 =	sshll.u32 s10, $0xE  }
0x9: {  	[smem:$0x7FF] =	sst s6;
	s13 =	smul.u32 $0x13C00, s10;
	s9 =	sadd.s32 $0x1200, s0  }
0xa: {  	s15 =	sadd.s32 $0x48400, s0;
	s19 =	smul.u32 $0x4F000, s10;
	s16 =	sadd.s32 $0x4AC00, s0  }
0xb: {  	s29 =	sshll.u32 s10, $0x6;
	s7 =	sshll.u32 s3, $0x12;
	s11 =	smul.u32 $0x13C000, s3  }
0xc: {  	_ =	strace $0x80000047;
	[dreg:$0x6] =	wrdreg s15;
	s3 =	ssub.s32 $0x2, s3  }
0xd: {  	[dreg:$0x7] =	wrdreg s16;
	s15 =	simm.s32 $0x5;
	s16 =	simm.s32 $0x9180  }
0xe: {  	s7 =	sor.u32 s8, s7;
	s8 =	sadd.s32 $0x38400, s0;
	s18 =	sshrl.u32 s3, $0x1  }
0xf: {  	s21 =	sshrl.u32 s19, $0x2;
	s19 =	simm.s32 $0x4100;
	s12 =	sshrl.u32 s7, $0x3  }
0x10: {  	s3 =	ssub.s32 s3, s18;
	s14 =	sadd.s32 s12, s0;
	s12 =	sadd.s32 s8, s12  }
0x11: {  	s11 =	sadd.s32 s13, s11;
	s26 =	smax.u32 s3, $0x1;
	[dreg:$0x9] =	wrdreg s12  }
0x12: {  	s11 =	sshrl.u32 s11, $0x3;
	s20 =	sadd.s32 $0x28400, s14;
	[dreg:$0x10] =	wrdreg s26  }
0x13: {  	s0 =	sadd.s32 s11, s0;
	s12 =	sadd.s32 $0x10, s12;
	[dreg:$0x8] =	wrdreg s20  }
0x14: {  	s18 =	simm.s32 $0x3;
	[dreg:$0xa] =	wrdreg s12;
	s22 =	sadd.s32 $0x4B200, s0  }
0x15: {  	s3 =	simm.s32 $0x8;
	s23 =	sadd.s32 $0x9A200, s0;
	[dreg:$0xb] =	wrdreg s22  }
0x16: {  	s11 =	sadd.s32 s21, s5;
	s24 =	sadd.s32 $0xE9200, s0;
	[dreg:$0xc] =	wrdreg s23  }
0x17: {  	s21 =	simm.s32 $0xA;
	s25 =	sadd.s32 $0x138200, s0;
	[dreg:$0xd] =	wrdreg s24  }
0x18: {  	s26 =	simm.s32 $0x50;
	s0 =	sadd.s32 $0x187200, s0;
	[dreg:$0xe] =	wrdreg s25  }
0x19: {  	s12 =	simm.s32 $0x4;
	s20 =	simm.s32 $0x0;
	[dreg:$0xf] =	wrdreg s0  }
0x1a: {  	s22 =	sor.u32 $0x1C0A, s29;
	s23 =	sshrl.u32 s11, $0x3;
	s24 =	simm.s32 $0x4000  }
0x1b: {  	s25 =	simm.s32 $0x4080;
	s0 =	simm.s32 $0x1;
	s11 =	simm.s32 $0x2  }
.LBB2_1:
0x1c: {  	s10 =	rddreg [dreg:$0x8]  }
0x1d: {  	[tilespmem:s6], [sflag:$0xA] =	stream.linear.gather [hbm4b:s10+s6], $0x3E80, $0x38;
	[tilespmem:$0x1F580] =	vst v63  }
0x1e: {  	_ =	swait.ge [sflag:s21], $0x3E80  }
0x1f: {  	[sflag:s21] =	ssyncset.done $0x0  }
0x20: {  	s13 =	rddreg [dreg:$0x6];
	[sflag:s21] =	ssyncadd.s32 $0xFFFFC180  }
0x21: {  	[spmem:s23], [sflag:s22] =	dma.local [hbm:s13], $0x2780  }
0x22: {  	_ =	swait.ge [sflag:s21], $0x2780  }
0x23: {  	[sflag:s21] =	ssyncset.done $0x0  }
0x24: {  	[sflag:s21] =	ssyncadd.s32 $0xFFFFD880  }
0x25: {  	[bflag:$0x0] =	sbarrier.arrive $0xFFFF  }
0x26: {  	s14 =	rddreg [dreg:$0x9]  }
0x27: {  	[tilespmem:s24], [sflag:$0x7] =	stream.linear.gather [hbm4b:s14+s6], $0x80, $0x38;
	[tilespmem:$0x1F580] =	vst v63  }
0x28: {  	s13 =	rddreg [dreg:$0xa]  }
0x29: {  	[tilespmem:s25], [sflag:$0x8] =	stream.linear.gather [hbm4b:s13+s6], $0x80, $0x38;
	[tilespmem:$0x1F580] =	vst v63  }
0x2a: {  	_ = 	snop  }
0x2b: {  	[tilespmem:s28], [sflag:$0x1] =	stream.indirect.gather [hbm4b:s1+s26], $0x80, s6, s26, $0xb8;
	[tilespmem:$0x1F580] =	vst v63  }
0x2c: {  	s29 =	simm.s32 $0x0;
	s14 =	simm.s32 $0x80  }
0x2d: {  	[tilespmem:s30], [sflag:$0x2] =	stream.indirect.gather [hbm4b:s1+s26], $0x80, s14, s26, $0xb8;
	[tilespmem:$0x1F580] =	vst v63  }
.LBB2_2:
0x2e: {  	_ =	swait.ge [sflag:s31], $0x80  }
0x2f: {  	[sflag:s31] =	ssyncset.done $0x0  }
0x30: {  	[sflag:s31] =	ssyncadd.s32 $0xFFFFFF80  }
0x31: {  	_ =	swait.ge [sflag:s0], $0x2800  }
0x32: {  	p0 =	seq.s32 s29, $0x0;
	[sflag:s0] =	ssyncset.done $0x0  }
0x33: {  	s14 =	simm.s32 @!p0 $0x6;
	[sflag:s0] =	ssyncadd.s32 $0xFFFFD800  }
0x34: {  	[spmem:s5] =	stream.indirect.scatter.add.f32 [tilespmem:s28], [sflag:$0x4], $0x80, s24, s26, $0xb8;
	[tilespmem:$0x1F580] =	vst v63  }
0x35: {  	p1 =	seq.s32 @!p0 s29, $0x7B;
	_ =	swait.ge @!p0 [sflag:s14], $0x2800  }
0x36: {  	p1 =	por p0, !p1;
	[sflag:s14] =	ssyncset.done @!p0 $0x0  }
0x37: {  	[sflag:s14] =	ssyncadd.s32 @!p0 $0xFFFFD800;
	s14 =	smin.u32 @p1 s29, $0x7A  }
0x38: {  	s14 =	sadd.s32 @p1 $0x2, s14  }
0x39: {  	s14 =	sshll.u32 @p1 s14, $0x7  }
0x3a: {  	s10 =	sand.u32 @p1 $0x3F80, s14  }
0x3b: {  	s10 =	sor.u32 @p1 s7, s10  }
0x3c: {  	s10 =	sshrl.u32 @p1 s10, $0x3  }
0x3d: {  	s10 =	sadd.s32 @p1 s8, s10  }
0x3e: {  	[tilespmem:s19], [sflag:$0x9] =	stream.linear.gather @p1 [hbm4b:s10+s6], $0x80, $0x38;
	[tilespmem:$0x1F580] =	vst v63  }
0x3f: {  	_ = 	snop  }
0x40: {  	[tilespmem:s16], [sflag:$0x3] =	stream.indirect.gather @p1 [hbm4b:s1+s26], $0x80, s14, s26, $0xb8;
	[tilespmem:$0x1F580] =	vst v63  }
0x41: {  	_ =	swait.ge [sflag:s3], $0x80  }
0x42: {  	[sflag:s3] =	ssyncset.done $0x0  }
0x43: {  	[sflag:s3] =	ssyncadd.s32 $0xFFFFFF80  }
0x44: {  	_ =	swait.ge [sflag:s11], $0x2800  }
0x45: {  	p0 =	seq.s32 s29, $0x7B;
	[sflag:s11] =	ssyncset.done $0x0  }
.Ltmp0:
0x46: {  	[sflag:s11] =	ssyncadd.s32 $0xFFFFD800;
	(pc) =	sbr.rel @p0 .LBB2_4-.Ltmp0, $4  }
0x47: {  	[spmem:s5] =	stream.indirect.scatter.add.f32 [tilespmem:s30], [sflag:$0x5], $0x80, s25, s26, $0xb8;
	[tilespmem:$0x1F580] =	vst v63  }
0x48: {  	_ =	swait.ge [sflag:s12], $0x2800  }
0x49: {  	[sflag:s12] =	ssyncset.done $0x0  }
0x4a: {  	[sflag:s12] =	ssyncadd.s32 $0xFFFFD800  }
0x4b: {  	s10 =	smin.u32 s29, $0x79  }
0x4c: {  	s10 =	sshll.u32 s10, $0x7  }
0x4d: {  	s10 =	sadd.s32 $0x180, s10  }
0x4e: {  	s14 =	sand.u32 $0x7C00, s10  }
0x4f: {  	s13 =	sand.u32 $0x380, s10;
	s14 =	sadd.s32 s7, s14  }
0x50: {  	s13 =	sor.u32 s13, s14  }
0x51: {  	s13 =	sshrl.u32 s13, $0x3  }
0x52: {  	s13 =	sadd.s32 s8, s13  }
0x53: {  	[tilespmem:s24], [sflag:$0x7] =	stream.linear.gather [hbm4b:s13+s6], $0x80, $0x38;
	[tilespmem:$0x1F580] =	vst v63  }
0x54: {  	_ = 	snop  }
0x55: {  	[tilespmem:s28], [sflag:$0x1] =	stream.indirect.gather [hbm4b:s1+s26], $0x80, s10, s26, $0xb8;
	[tilespmem:$0x1F580] =	vst v63  }
0x56: {  	_ =	swait.ge [sflag:s17], $0x80  }
0x57: {  	s13 =	smin.u32 s29, $0x78;
	[sflag:s17] =	ssyncset.done $0x0  }
0x58: {  	s10 =	sshll.u32 s13, $0x7;
	[sflag:s17] =	ssyncadd.s32 $0xFFFFFF80  }
0x59: {  	s10 =	sadd.s32 $0x200, s10;
	_ =	swait.ge [sflag:s18], $0x2800  }
0x5a: {  	s14 =	sand.u32 $0x7C00, s10;
	[sflag:s18] =	ssyncset.done $0x0  }
0x5b: {  	s13 =	sadd.s32 s7, s14;
	s14 =	sand.u32 $0x380, s10;
	[sflag:s18] =	ssyncadd.s32 $0xFFFFD800  }
0x5c: {  	[spmem:s5] =	stream.indirect.scatter.add.f32 [tilespmem:s16], [sflag:$0x6], $0x80, s19, s26, $0xb8;
	[tilespmem:$0x1F580] =	vst v63  }
0x5d: {  	s13 =	sor.u32 s14, s13;
	_ =	swait.ge [sflag:s15], $0x2800  }
.Ltmp1:
0x5e: {  	s13 =	sshrl.u32 s13, $0x3;
	[sflag:s15] =	ssyncset.done $0x0;
	(pc) =	sbr.rel .LBB2_2-.Ltmp1, $4  }
0x5f: {  	s13 =	sadd.s32 s8, s13;
	[sflag:s15] =	ssyncadd.s32 $0xFFFFD800  }
0x60: {  	[tilespmem:s25], [sflag:$0x8] =	stream.linear.gather [hbm4b:s13+s6], $0x80, $0x38;
	[tilespmem:$0x1F580] =	vst v63  }
0x61: {  	s29 =	sadd.s32 $0x3, s29  }
0x62: {  	[tilespmem:s30], [sflag:$0x2] =	stream.indirect.gather [hbm4b:s1+s26], $0x80, s10, s26, $0xb8;
	[tilespmem:$0x1F580] =	vst v63  }
.LBB2_4:
0x63: {  	_ =	swait.ge [sflag:s15], $0x2800  }
0x64: {  	[sflag:s15] =	ssyncset.done $0x0  }
0x65: {  	[sflag:s15] =	ssyncadd.s32 $0xFFFFD800  }
0x66: {  	[bflag:$0x0] =	sbarrier.arrive $0xFFFF  }
0x67: {  	s10 =	rddreg [dreg:$0xb]  }
0x68: {  	[hbm:s10], [sflag:s22] =	dma.local [spmem:s23], $0x2780  }
0x69: {  	_ =	swait.ge [sflag:s21], $0x2780  }
0x6a: {  	[sflag:s21] =	ssyncset.done $0x0  }
0x6b: {  	s13 =	rddreg [dreg:$0x6];
	[sflag:s21] =	ssyncadd.s32 $0xFFFFD880  }
0x6c: {  	[spmem:s23], [sflag:s22] =	dma.local [hbm:s13], $0x2780  }
0x6d: {  	_ =	swait.ge [sflag:s21], $0x2780  }
0x6e: {  	[sflag:s21] =	ssyncset.done $0x0  }
0x6f: {  	[sflag:s21] =	ssyncadd.s32 $0xFFFFD880  }
0x70: {  	[bflag:$0x0] =	sbarrier.arrive $0xFFFF  }
0x71: {  	s29 =	simm.s32 $0x0;
	s14 =	rddreg [dreg:$0x9]  }
0x72: {  	[tilespmem:s24], [sflag:$0x7] =	stream.linear.gather [hbm4b:s14+s29], $0x80, $0x38;
	[tilespmem:$0x1F580] =	vst v63  }
0x73: {  	s13 =	rddreg [dreg:$0xa]  }
0x74: {  	[tilespmem:s25], [sflag:$0x8] =	stream.linear.gather [hbm4b:s13+s29], $0x80, $0x38;
	[tilespmem:$0x1F580] =	vst v63  }
0x75: {  	_ = 	snop  }
0x76: {  	[tilespmem:s28], [sflag:$0x1] =	stream.indirect.gather [hbm4b:s2+s26], $0x80, s29, s26, $0xb8;
	[tilespmem:$0x1F580] =	vst v63  }
0x77: {  	s14 =	simm.s32 $0x80  }
0x78: {  	[tilespmem:s30], [sflag:$0x2] =	stream.indirect.gather [hbm4b:s2+s26], $0x80, s14, s26, $0xb8;
	[tilespmem:$0x1F580] =	vst v63  }
.LBB2_5:
0x79: {  	_ =	swait.ge [sflag:s31], $0x80  }
0x7a: {  	[sflag:s31] =	ssyncset.done $0x0  }
0x7b: {  	[sflag:s31] =	ssyncadd.s32 $0xFFFFFF80  }
0x7c: {  	_ =	swait.ge [sflag:s0], $0x2800  }
0x7d: {  	p0 =	seq.s32 s29, $0x0;
	[sflag:s0] =	ssyncset.done $0x0  }
0x7e: {  	s10 =	simm.s32 @!p0 $0x6;
	[sflag:s0] =	ssyncadd.s32 $0xFFFFD800  }
0x7f: {  	[spmem:s5] =	stream.indirect.scatter.add.f32 [tilespmem:s28], [sflag:$0x4], $0x80, s24, s26, $0xb8;
	[tilespmem:$0x1F580] =	vst v63  }
0x80: {  	p1 =	seq.s32 @!p0 s29, $0x7B;
	_ =	swait.ge @!p0 [sflag:s10], $0x2800  }
0x81: {  	p1 =	por p0, !p1;
	[sflag:s10] =	ssyncset.done @!p0 $0x0  }
0x82: {  	[sflag:s10] =	ssyncadd.s32 @!p0 $0xFFFFD800;
	s10 =	smin.u32 @p1 s29, $0x7A  }
0x83: {  	s10 =	sadd.s32 @p1 $0x2, s10  }
0x84: {  	s10 =	sshll.u32 @p1 s10, $0x7  }
0x85: {  	s13 =	sand.u32 @p1 $0x3F80, s10  }
0x86: {  	s13 =	sor.u32 @p1 s7, s13  }
0x87: {  	s13 =	sshrl.u32 @p1 s13, $0x3  }
0x88: {  	s13 =	sadd.s32 @p1 s8, s13  }
0x89: {  	[tilespmem:s19], [sflag:$0x9] =	stream.linear.gather @p1 [hbm4b:s13+s6], $0x80, $0x38;
	[tilespmem:$0x1F580] =	vst v63  }
0x8a: {  	_ = 	snop  }
0x8b: {  	[tilespmem:s16], [sflag:$0x3] =	stream.indirect.gather @p1 [hbm4b:s2+s26], $0x80, s10, s26, $0xb8;
	[tilespmem:$0x1F580] =	vst v63  }
0x8c: {  	_ =	swait.ge [sflag:s3], $0x80  }
0x8d: {  	[sflag:s3] =	ssyncset.done $0x0  }
0x8e: {  	[sflag:s3] =	ssyncadd.s32 $0xFFFFFF80  }
0x8f: {  	_ =	swait.ge [sflag:s11], $0x2800  }
0x90: {  	p0 =	seq.s32 s29, $0x7B;
	[sflag:s11] =	ssyncset.done $0x0  }
.Ltmp2:
0x91: {  	[sflag:s11] =	ssyncadd.s32 $0xFFFFD800;
	(pc) =	sbr.rel @p0 .LBB2_7-.Ltmp2, $4  }
0x92: {  	[spmem:s5] =	stream.indirect.scatter.add.f32 [tilespmem:s30], [sflag:$0x5], $0x80, s25, s26, $0xb8;
	[tilespmem:$0x1F580] =	vst v63  }
0x93: {  	_ =	swait.ge [sflag:s12], $0x2800  }
0x94: {  	[sflag:s12] =	ssyncset.done $0x0  }
0x95: {  	[sflag:s12] =	ssyncadd.s32 $0xFFFFD800  }
0x96: {  	s10 =	smin.u32 s29, $0x79  }
0x97: {  	s10 =	sshll.u32 s10, $0x7  }
0x98: {  	s10 =	sadd.s32 $0x180, s10  }
0x99: {  	s13 =	sand.u32 $0x7C00, s10  }
0x9a: {  	s14 =	sand.u32 $0x380, s10;
	s13 =	sadd.s32 s7, s13  }
0x9b: {  	s13 =	sor.u32 s14, s13  }
0x9c: {  	s13 =	sshrl.u32 s13, $0x3  }
0x9d: {  	s13 =	sadd.s32 s8, s13  }
0x9e: {  	[tilespmem:s24], [sflag:$0x7] =	stream.linear.gather [hbm4b:s13+s6], $0x80, $0x38;
	[tilespmem:$0x1F580] =	vst v63  }
0x9f: {  	_ = 	snop  }
0xa0: {  	[tilespmem:s28], [sflag:$0x1] =	stream.indirect.gather [hbm4b:s2+s26], $0x80, s10, s26, $0xb8;
	[tilespmem:$0x1F580] =	vst v63  }
0xa1: {  	_ =	swait.ge [sflag:s17], $0x80  }
0xa2: {  	s13 =	smin.u32 s29, $0x78;
	[sflag:s17] =	ssyncset.done $0x0  }
0xa3: {  	s10 =	sshll.u32 s13, $0x7;
	[sflag:s17] =	ssyncadd.s32 $0xFFFFFF80  }
0xa4: {  	s10 =	sadd.s32 $0x200, s10;
	_ =	swait.ge [sflag:s18], $0x2800  }
0xa5: {  	s14 =	sand.u32 $0x7C00, s10;
	[sflag:s18] =	ssyncset.done $0x0  }
0xa6: {  	s13 =	sadd.s32 s7, s14;
	s14 =	sand.u32 $0x380, s10;
	[sflag:s18] =	ssyncadd.s32 $0xFFFFD800  }
0xa7: {  	[spmem:s5] =	stream.indirect.scatter.add.f32 [tilespmem:s16], [sflag:$0x6], $0x80, s19, s26, $0xb8;
	[tilespmem:$0x1F580] =	vst v63  }
0xa8: {  	s13 =	sor.u32 s14, s13;
	_ =	swait.ge [sflag:s15], $0x2800  }
.Ltmp3:
0xa9: {  	s13 =	sshrl.u32 s13, $0x3;
	[sflag:s15] =	ssyncset.done $0x0;
	(pc) =	sbr.rel .LBB2_5-.Ltmp3, $4  }
0xaa: {  	s13 =	sadd.s32 s8, s13;
	[sflag:s15] =	ssyncadd.s32 $0xFFFFD800  }
0xab: {  	[tilespmem:s25], [sflag:$0x8] =	stream.linear.gather [hbm4b:s13+s6], $0x80, $0x38;
	[tilespmem:$0x1F580] =	vst v63  }
0xac: {  	s29 =	sadd.s32 $0x3, s29  }
0xad: {  	[tilespmem:s30], [sflag:$0x2] =	stream.indirect.gather [hbm4b:s2+s26], $0x80, s10, s26, $0xb8;
	[tilespmem:$0x1F580] =	vst v63  }
.LBB2_7:
0xae: {  	_ =	swait.ge [sflag:s15], $0x2800  }
0xaf: {  	[sflag:s15] =	ssyncset.done $0x0  }
0xb0: {  	[sflag:s15] =	ssyncadd.s32 $0xFFFFD800  }
0xb1: {  	[bflag:$0x0] =	sbarrier.arrive $0xFFFF  }
0xb2: {  	s10 =	rddreg [dreg:$0xc]  }
0xb3: {  	[hbm:s10], [sflag:s22] =	dma.local [spmem:s23], $0x2780  }
0xb4: {  	_ =	swait.ge [sflag:s21], $0x2780  }
0xb5: {  	[sflag:s21] =	ssyncset.done $0x0  }
0xb6: {  	s13 =	rddreg [dreg:$0x6];
	[sflag:s21] =	ssyncadd.s32 $0xFFFFD880  }
0xb7: {  	[spmem:s23], [sflag:s22] =	dma.local [hbm:s13], $0x2780  }
0xb8: {  	_ =	swait.ge [sflag:s21], $0x2780  }
0xb9: {  	[sflag:s21] =	ssyncset.done $0x0  }
0xba: {  	[sflag:s21] =	ssyncadd.s32 $0xFFFFD880  }
0xbb: {  	[bflag:$0x0] =	sbarrier.arrive $0xFFFF  }
0xbc: {  	s29 =	simm.s32 $0x0;
	s14 =	rddreg [dreg:$0x9]  }
0xbd: {  	[tilespmem:s24], [sflag:$0x7] =	stream.linear.gather [hbm4b:s14+s29], $0x80, $0x38;
	[tilespmem:$0x1F580] =	vst v63  }
0xbe: {  	s13 =	rddreg [dreg:$0xa]  }
0xbf: {  	[tilespmem:s25], [sflag:$0x8] =	stream.linear.gather [hbm4b:s13+s29], $0x80, $0x38;
	[tilespmem:$0x1F580] =	vst v63  }
0xc0: {  	_ = 	snop  }
0xc1: {  	[tilespmem:s28], [sflag:$0x1] =	stream.indirect.gather [hbm4b:s4+s26], $0x80, s29, s26, $0xb8;
	[tilespmem:$0x1F580] =	vst v63  }
0xc2: {  	s14 =	simm.s32 $0x80  }
0xc3: {  	[tilespmem:s30], [sflag:$0x2] =	stream.indirect.gather [hbm4b:s4+s26], $0x80, s14, s26, $0xb8;
	[tilespmem:$0x1F580] =	vst v63  }
.LBB2_8:
0xc4: {  	_ =	swait.ge [sflag:s31], $0x80  }
0xc5: {  	[sflag:s31] =	ssyncset.done $0x0  }
0xc6: {  	[sflag:s31] =	ssyncadd.s32 $0xFFFFFF80  }
0xc7: {  	_ =	swait.ge [sflag:s0], $0x2800  }
0xc8: {  	p0 =	seq.s32 s29, $0x0;
	[sflag:s0] =	ssyncset.done $0x0  }
0xc9: {  	s10 =	simm.s32 @!p0 $0x6;
	[sflag:s0] =	ssyncadd.s32 $0xFFFFD800  }
0xca: {  	[spmem:s5] =	stream.indirect.scatter.add.f32 [tilespmem:s28], [sflag:$0x4], $0x80, s24, s26, $0xb8;
	[tilespmem:$0x1F580] =	vst v63  }
0xcb: {  	p1 =	seq.s32 @!p0 s29, $0x7B;
	_ =	swait.ge @!p0 [sflag:s10], $0x2800  }
0xcc: {  	p1 =	por p0, !p1;
	[sflag:s10] =	ssyncset.done @!p0 $0x0  }
0xcd: {  	[sflag:s10] =	ssyncadd.s32 @!p0 $0xFFFFD800;
	s10 =	smin.u32 @p1 s29, $0x7A  }
0xce: {  	s10 =	sadd.s32 @p1 $0x2, s10  }
0xcf: {  	s10 =	sshll.u32 @p1 s10, $0x7  }
0xd0: {  	s13 =	sand.u32 @p1 $0x3F80, s10  }
0xd1: {  	s13 =	sor.u32 @p1 s7, s13  }
0xd2: {  	s13 =	sshrl.u32 @p1 s13, $0x3  }
0xd3: {  	s13 =	sadd.s32 @p1 s8, s13  }
0xd4: {  	[tilespmem:s19], [sflag:$0x9] =	stream.linear.gather @p1 [hbm4b:s13+s6], $0x80, $0x38;
	[tilespmem:$0x1F580] =	vst v63  }
0xd5: {  	_ = 	snop  }
0xd6: {  	[tilespmem:s16], [sflag:$0x3] =	stream.indirect.gather @p1 [hbm4b:s4+s26], $0x80, s10, s26, $0xb8;
	[tilespmem:$0x1F580] =	vst v63  }
0xd7: {  	_ =	swait.ge [sflag:s3], $0x80  }
0xd8: {  	[sflag:s3] =	ssyncset.done $0x0  }
0xd9: {  	[sflag:s3] =	ssyncadd.s32 $0xFFFFFF80  }
0xda: {  	_ =	swait.ge [sflag:s11], $0x2800  }
0xdb: {  	p0 =	seq.s32 s29, $0x7B;
	[sflag:s11] =	ssyncset.done $0x0  }
.Ltmp4:
0xdc: {  	[sflag:s11] =	ssyncadd.s32 $0xFFFFD800;
	(pc) =	sbr.rel @p0 .LBB2_10-.Ltmp4, $4  }
0xdd: {  	[spmem:s5] =	stream.indirect.scatter.add.f32 [tilespmem:s30], [sflag:$0x5], $0x80, s25, s26, $0xb8;
	[tilespmem:$0x1F580] =	vst v63  }
0xde: {  	_ =	swait.ge [sflag:s12], $0x2800  }
0xdf: {  	[sflag:s12] =	ssyncset.done $0x0  }
0xe0: {  	[sflag:s12] =	ssyncadd.s32 $0xFFFFD800  }
0xe1: {  	s10 =	smin.u32 s29, $0x79  }
0xe2: {  	s10 =	sshll.u32 s10, $0x7  }
0xe3: {  	s10 =	sadd.s32 $0x180, s10  }
0xe4: {  	s13 =	sand.u32 $0x7C00, s10  }
0xe5: {  	s14 =	sand.u32 $0x380, s10;
	s13 =	sadd.s32 s7, s13  }
0xe6: {  	s13 =	sor.u32 s14, s13  }
0xe7: {  	s13 =	sshrl.u32 s13, $0x3  }
0xe8: {  	s13 =	sadd.s32 s8, s13  }
0xe9: {  	[tilespmem:s24], [sflag:$0x7] =	stream.linear.gather [hbm4b:s13+s6], $0x80, $0x38;
	[tilespmem:$0x1F580] =	vst v63  }
0xea: {  	_ = 	snop  }
0xeb: {  	[tilespmem:s28], [sflag:$0x1] =	stream.indirect.gather [hbm4b:s4+s26], $0x80, s10, s26, $0xb8;
	[tilespmem:$0x1F580] =	vst v63  }
0xec: {  	_ =	swait.ge [sflag:s17], $0x80  }
0xed: {  	s13 =	smin.u32 s29, $0x78;
	[sflag:s17] =	ssyncset.done $0x0  }
0xee: {  	s10 =	sshll.u32 s13, $0x7;
	[sflag:s17] =	ssyncadd.s32 $0xFFFFFF80  }
0xef: {  	s10 =	sadd.s32 $0x200, s10;
	_ =	swait.ge [sflag:s18], $0x2800  }
0xf0: {  	s14 =	sand.u32 $0x7C00, s10;
	[sflag:s18] =	ssyncset.done $0x0  }
0xf1: {  	s13 =	sadd.s32 s7, s14;
	s14 =	sand.u32 $0x380, s10;
	[sflag:s18] =	ssyncadd.s32 $0xFFFFD800  }
0xf2: {  	[spmem:s5] =	stream.indirect.scatter.add.f32 [tilespmem:s16], [sflag:$0x6], $0x80, s19, s26, $0xb8;
	[tilespmem:$0x1F580] =	vst v63  }
0xf3: {  	s13 =	sor.u32 s14, s13;
	_ =	swait.ge [sflag:s15], $0x2800  }
.Ltmp5:
0xf4: {  	s13 =	sshrl.u32 s13, $0x3;
	[sflag:s15] =	ssyncset.done $0x0;
	(pc) =	sbr.rel .LBB2_8-.Ltmp5, $4  }
0xf5: {  	s13 =	sadd.s32 s8, s13;
	[sflag:s15] =	ssyncadd.s32 $0xFFFFD800  }
0xf6: {  	[tilespmem:s25], [sflag:$0x8] =	stream.linear.gather [hbm4b:s13+s6], $0x80, $0x38;
	[tilespmem:$0x1F580] =	vst v63  }
0xf7: {  	s29 =	sadd.s32 $0x3, s29  }
0xf8: {  	[tilespmem:s30], [sflag:$0x2] =	stream.indirect.gather [hbm4b:s4+s26], $0x80, s10, s26, $0xb8;
	[tilespmem:$0x1F580] =	vst v63  }
.LBB2_10:
0xf9: {  	_ =	swait.ge [sflag:s15], $0x2800  }
0xfa: {  	[sflag:s15] =	ssyncset.done $0x0  }
0xfb: {  	[sflag:s15] =	ssyncadd.s32 $0xFFFFD800  }
0xfc: {  	[bflag:$0x0] =	sbarrier.arrive $0xFFFF  }
0xfd: {  	s10 =	rddreg [dreg:$0xd]  }
0xfe: {  	[hbm:s10], [sflag:s22] =	dma.local [spmem:s23], $0x2780  }
0xff: {  	_ =	swait.ge [sflag:s21], $0x2780  }
0x100: {  	[sflag:s21] =	ssyncset.done $0x0  }
0x101: {  	s13 =	rddreg [dreg:$0x6];
	[sflag:s21] =	ssyncadd.s32 $0xFFFFD880  }
0x102: {  	[spmem:s23], [sflag:s22] =	dma.local [hbm:s13], $0x2780  }
0x103: {  	_ =	swait.ge [sflag:s21], $0x2780  }
0x104: {  	[sflag:s21] =	ssyncset.done $0x0  }
0x105: {  	[sflag:s21] =	ssyncadd.s32 $0xFFFFD880  }
0x106: {  	[bflag:$0x0] =	sbarrier.arrive $0xFFFF  }
0x107: {  	s29 =	simm.s32 $0x0;
	s14 =	rddreg [dreg:$0x9]  }
0x108: {  	[tilespmem:s24], [sflag:$0x7] =	stream.linear.gather [hbm4b:s14+s29], $0x80, $0x38;
	[tilespmem:$0x1F580] =	vst v63  }
0x109: {  	s13 =	rddreg [dreg:$0xa]  }
0x10a: {  	[tilespmem:s25], [sflag:$0x8] =	stream.linear.gather [hbm4b:s13+s29], $0x80, $0x38;
	[tilespmem:$0x1F580] =	vst v63  }
0x10b: {  	_ = 	snop  }
0x10c: {  	[tilespmem:s28], [sflag:$0x1] =	stream.indirect.gather [hbm4b:s9+s26], $0x80, s29, s26, $0xb8;
	[tilespmem:$0x1F580] =	vst v63  }
0x10d: {  	s14 =	simm.s32 $0x80  }
0x10e: {  	[tilespmem:s30], [sflag:$0x2] =	stream.indirect.gather [hbm4b:s9+s26], $0x80, s14, s26, $0xb8;
	[tilespmem:$0x1F580] =	vst v63  }
.LBB2_11:
0x10f: {  	_ =	swait.ge [sflag:s31], $0x80  }
0x110: {  	[sflag:s31] =	ssyncset.done $0x0  }
0x111: {  	[sflag:s31] =	ssyncadd.s32 $0xFFFFFF80  }
0x112: {  	_ =	swait.ge [sflag:s0], $0x2800  }
0x113: {  	p0 =	seq.s32 s29, $0x0;
	[sflag:s0] =	ssyncset.done $0x0  }
0x114: {  	s10 =	simm.s32 @!p0 $0x6;
	[sflag:s0] =	ssyncadd.s32 $0xFFFFD800  }
0x115: {  	[spmem:s5] =	stream.indirect.scatter.add.f32 [tilespmem:s28], [sflag:$0x4], $0x80, s24, s26, $0xb8;
	[tilespmem:$0x1F580] =	vst v63  }
0x116: {  	p1 =	seq.s32 @!p0 s29, $0x7B;
	_ =	swait.ge @!p0 [sflag:s10], $0x2800  }
0x117: {  	p1 =	por p0, !p1;
	[sflag:s10] =	ssyncset.done @!p0 $0x0  }
0x118: {  	[sflag:s10] =	ssyncadd.s32 @!p0 $0xFFFFD800;
	s10 =	smin.u32 @p1 s29, $0x7A  }
0x119: {  	s10 =	sadd.s32 @p1 $0x2, s10  }
0x11a: {  	s10 =	sshll.u32 @p1 s10, $0x7  }
0x11b: {  	s13 =	sand.u32 @p1 $0x3F80, s10  }
0x11c: {  	s13 =	sor.u32 @p1 s7, s13  }
0x11d: {  	s13 =	sshrl.u32 @p1 s13, $0x3  }
0x11e: {  	s13 =	sadd.s32 @p1 s8, s13  }
0x11f: {  	[tilespmem:s19], [sflag:$0x9] =	stream.linear.gather @p1 [hbm4b:s13+s6], $0x80, $0x38;
	[tilespmem:$0x1F580] =	vst v63  }
0x120: {  	_ = 	snop  }
0x121: {  	[tilespmem:s16], [sflag:$0x3] =	stream.indirect.gather @p1 [hbm4b:s9+s26], $0x80, s10, s26, $0xb8;
	[tilespmem:$0x1F580] =	vst v63  }
0x122: {  	_ =	swait.ge [sflag:s3], $0x80  }
0x123: {  	[sflag:s3] =	ssyncset.done $0x0  }
0x124: {  	[sflag:s3] =	ssyncadd.s32 $0xFFFFFF80  }
0x125: {  	_ =	swait.ge [sflag:s11], $0x2800  }
0x126: {  	p0 =	seq.s32 s29, $0x7B;
	[sflag:s11] =	ssyncset.done $0x0  }
.Ltmp6:
0x127: {  	[sflag:s11] =	ssyncadd.s32 $0xFFFFD800;
	(pc) =	sbr.rel @p0 .LBB2_13-.Ltmp6, $4  }
0x128: {  	[spmem:s5] =	stream.indirect.scatter.add.f32 [tilespmem:s30], [sflag:$0x5], $0x80, s25, s26, $0xb8;
	[tilespmem:$0x1F580] =	vst v63  }
0x129: {  	_ =	swait.ge [sflag:s12], $0x2800  }
0x12a: {  	[sflag:s12] =	ssyncset.done $0x0  }
0x12b: {  	[sflag:s12] =	ssyncadd.s32 $0xFFFFD800  }
0x12c: {  	s10 =	smin.u32 s29, $0x79  }
0x12d: {  	s10 =	sshll.u32 s10, $0x7  }
0x12e: {  	s10 =	sadd.s32 $0x180, s10  }
0x12f: {  	s13 =	sand.u32 $0x7C00, s10  }
0x130: {  	s14 =	sand.u32 $0x380, s10;
	s13 =	sadd.s32 s7, s13  }
0x131: {  	s13 =	sor.u32 s14, s13  }
0x132: {  	s13 =	sshrl.u32 s13, $0x3  }
0x133: {  	s13 =	sadd.s32 s8, s13  }
0x134: {  	[tilespmem:s24], [sflag:$0x7] =	stream.linear.gather [hbm4b:s13+s6], $0x80, $0x38;
	[tilespmem:$0x1F580] =	vst v63  }
0x135: {  	_ = 	snop  }
0x136: {  	[tilespmem:s28], [sflag:$0x1] =	stream.indirect.gather [hbm4b:s9+s26], $0x80, s10, s26, $0xb8;
	[tilespmem:$0x1F580] =	vst v63  }
0x137: {  	_ =	swait.ge [sflag:s17], $0x80  }
0x138: {  	s13 =	smin.u32 s29, $0x78;
	[sflag:s17] =	ssyncset.done $0x0  }
0x139: {  	s10 =	sshll.u32 s13, $0x7;
	[sflag:s17] =	ssyncadd.s32 $0xFFFFFF80  }
0x13a: {  	s10 =	sadd.s32 $0x200, s10;
	_ =	swait.ge [sflag:s18], $0x2800  }
0x13b: {  	s14 =	sand.u32 $0x7C00, s10;
	[sflag:s18] =	ssyncset.done $0x0  }
0x13c: {  	s13 =	sadd.s32 s7, s14;
	s14 =	sand.u32 $0x380, s10;
	[sflag:s18] =	ssyncadd.s32 $0xFFFFD800  }
0x13d: {  	[spmem:s5] =	stream.indirect.scatter.add.f32 [tilespmem:s16], [sflag:$0x6], $0x80, s19, s26, $0xb8;
	[tilespmem:$0x1F580] =	vst v63  }
0x13e: {  	s13 =	sor.u32 s14, s13;
	_ =	swait.ge [sflag:s15], $0x2800  }
.Ltmp7:
0x13f: {  	s13 =	sshrl.u32 s13, $0x3;
	[sflag:s15] =	ssyncset.done $0x0;
	(pc) =	sbr.rel .LBB2_11-.Ltmp7, $4  }
0x140: {  	s13 =	sadd.s32 s8, s13;
	[sflag:s15] =	ssyncadd.s32 $0xFFFFD800  }
0x141: {  	[tilespmem:s25], [sflag:$0x8] =	stream.linear.gather [hbm4b:s13+s6], $0x80, $0x38;
	[tilespmem:$0x1F580] =	vst v63  }
0x142: {  	s29 =	sadd.s32 $0x3, s29  }
0x143: {  	[tilespmem:s30], [sflag:$0x2] =	stream.indirect.gather [hbm4b:s9+s26], $0x80, s10, s26, $0xb8;
	[tilespmem:$0x1F580] =	vst v63  }
.LBB2_13:
0x144: {  	_ =	swait.ge [sflag:s15], $0x2800  }
0x145: {  	[sflag:s15] =	ssyncset.done $0x0  }
0x146: {  	[sflag:s15] =	ssyncadd.s32 $0xFFFFD800  }
0x147: {  	[bflag:$0x0] =	sbarrier.arrive $0xFFFF  }
0x148: {  	s10 =	rddreg [dreg:$0xe]  }
0x149: {  	[hbm:s10], [sflag:s22] =	dma.local [spmem:s23], $0x2780  }
0x14a: {  	_ =	swait.ge [sflag:s21], $0x2780  }
0x14b: {  	[sflag:s21] =	ssyncset.done $0x0  }
0x14c: {  	s14 =	rddreg [dreg:$0x6];
	[sflag:s21] =	ssyncadd.s32 $0xFFFFD880  }
0x14d: {  	[spmem:s23], [sflag:s22] =	dma.local [hbm:s14], $0x2780  }
0x14e: {  	_ =	swait.ge [sflag:s21], $0x2780  }
0x14f: {  	[sflag:s21] =	ssyncset.done $0x0  }
0x150: {  	s13 =	rddreg [dreg:$0x7];
	[sflag:s21] =	ssyncadd.s32 $0xFFFFD880  }
0x151: {  	[tilespmem:s16], [sflag:$0xA] =	stream.linear.gather [hbm4b:s13+s6], $0x2800, $0x38;
	[tilespmem:$0x1F580] =	vst v63  }
0x152: {  	_ =	swait.ge [sflag:s21], $0x2800  }
0x153: {  	[sflag:s21] =	ssyncset.done $0x0  }
0x154: {  	s14 =	rddreg [dreg:$0x9];
	[sflag:s21] =	ssyncadd.s32 $0xFFFFD800  }
0x155: {  	[tilespmem:s6], [sflag:$0xA] =	stream.linear.gather [hbm4b:s14+s6], $0x3E80, $0x38;
	[tilespmem:$0x1F580] =	vst v63  }
0x156: {  	_ =	swait.ge [sflag:s21], $0x3E80  }
0x157: {  	[sflag:s21] =	ssyncset.done $0x0  }
0x158: {  	[sflag:s21] =	ssyncadd.s32 $0xFFFFC180  }
0x159: {  	[bflag:$0x0] =	sbarrier.arrive $0xFFFF  }
0x15a: {  	[spmem:s5] =	stream.indirect.scatter.add.f32 [tilespmem:s16], [sflag:$0x4], $0x80, s6, s26, $0xb8;
	[tilespmem:$0x1F580] =	vst v63  }
0x15b: {  	s13 =	simm.s32 $0x80  }
0x15c: {  	[spmem:s5] =	stream.indirect.scatter.add.f32 [tilespmem:s16], [sflag:$0x5], $0x80, s13, s26, $0xb8;
	[tilespmem:$0x1F580] =	vst v63  }
0x15d: {  	_ =	swait.ge [sflag:s12], $0x2800  }
0x15e: {  	[sflag:s12] =	ssyncset.done $0x0  }
0x15f: {  	s14 =	simm.s32 $0x100;
	[sflag:s12] =	ssyncadd.s32 $0xFFFFD800  }
0x160: {  	[spmem:s5] =	stream.indirect.scatter.add.f32 [tilespmem:s16], [sflag:$0x4], $0x80, s14, s26, $0xb8;
	[tilespmem:$0x1F580] =	vst v63  }
0x161: {  	_ =	swait.ge [sflag:s15], $0x2800  }
0x162: {  	[sflag:s15] =	ssyncset.done $0x0  }
0x163: {  	s29 =	simm.s32 $0xFFFF1000;
	s14 =	simm.s32 $0x180;
	[sflag:s15] =	ssyncadd.s32 $0xFFFFD800  }
.LBB2_14:
0x164: {  	[spmem:s5] =	stream.indirect.scatter.add.f32 [tilespmem:s16], [sflag:$0x5], $0x80, s14, s26, $0xb8;
	[tilespmem:$0x1F580] =	vst v63  }
0x165: {  	s10 =	smov.u32 s29  }
0x166: {  	p0 =	sne.s32 s29, $0xFFFFFC00;
	s29 =	sadd.s32 $0x400, s29;
	_ =	swait.ge [sflag:s12], $0x2800  }
0x167: {  	s10 =	sshra.s32 s10, $0x2;
	[sflag:s12] =	ssyncset.done $0x0  }
.Ltmp8:
0x168: {  	s13 =	sadd.s32 $0x3E00, s10;
	[sflag:s12] =	ssyncadd.s32 $0xFFFFD800;
	(pc) =	sbr.rel @p0 .LBB2_14-.Ltmp8, $4  }
0x169: {  	[spmem:s5] =	stream.indirect.scatter.add.f32 [tilespmem:s16], [sflag:$0x4], $0x80, s13, s26, $0xb8;
	[tilespmem:$0x1F580] =	vst v63  }
0x16a: {  	_ =	swait.ge [sflag:s15], $0x2800  }
0x16b: {  	[sflag:s15] =	ssyncset.done $0x0  }
0x16c: {  	s14 =	sadd.s32 $0x3E80, s10;
	[sflag:s15] =	ssyncadd.s32 $0xFFFFD800  }
0x16d: {  	[spmem:s5] =	stream.indirect.scatter.add.f32 [tilespmem:s16], [sflag:$0x5], $0x80, s14, s26, $0xb8;
	[tilespmem:$0x1F580] =	vst v63  }
0x16e: {  	_ =	swait.ge [sflag:s12], $0x2800  }
0x16f: {  	[sflag:s12] =	ssyncset.done $0x0  }
0x170: {  	s10 =	simm.s32 $0x3E00;
	[sflag:s12] =	ssyncadd.s32 $0xFFFFD800  }
0x171: {  	[spmem:s5] =	stream.indirect.scatter.add.f32 [tilespmem:s16], [sflag:$0x4], $0x80, s10, s26, $0xb8;
	[tilespmem:$0x1F580] =	vst v63  }
0x172: {  	_ =	swait.ge [sflag:s12], $0x2800  }
0x173: {  	[sflag:s12] =	ssyncset.done $0x0  }
0x174: {  	[sflag:s12] =	ssyncadd.s32 $0xFFFFD800  }
0x175: {  	_ =	swait.ge [sflag:s15], $0x2800  }
0x176: {  	[sflag:s15] =	ssyncset.done $0x0  }
0x177: {  	[sflag:s15] =	ssyncadd.s32 $0xFFFFD800  }
0x178: {  	[bflag:$0x0] =	sbarrier.arrive $0xFFFF  }
0x179: {  	s14 =	rddreg [dreg:$0xf]  }
0x17a: {  	[hbm:s14], [sflag:s22] =	dma.local [spmem:s23], $0x2780  }
0x17b: {  	_ =	swait.ge [sflag:s21], $0x2780  }
0x17c: {  	s20 =	sadd.s32 $0x1, s20;
	s29 =	rddreg [dreg:$0x10]  }
0x17d: {  	p0 =	sne.s32 s20, s29  }
.Ltmp9:
0x17e: {  	_ = 	snop;
	(pc) =	sbr.rel @p0 .LBB2_1-.Ltmp9, $3  }
0x17f: {  	_ =	sdelay $0x1  }
0x180: {  	[sflag:s21] =	ssyncset.done $0x0  }
0x181: {  	[sflag:s21] =	ssyncadd.s32 $0xFFFFD880  }
0x182: {  	_ =	sfence.sel $0x180000  }
0x183: {  	[bflag:$0x0] =	sbarrier.arrive $0xFFFF  }
0x184: {  	_ =	strace $0x90000047  }
0x185: {  	s0 =	stileid.u32;
	[bflag:$0x2] =	sbarrier.arrive $0xFFFF  }
0x186: {  	p0 =	sne.s32 s0, $0x0;
	s0 =	rddreg [dreg:$0x5]  }
0x187: {  	s0 =	sadd.s32 @!p0 $0x100000, s0  }
0x188: {  	[sflag:s0] =	ssyncadd.tile.s32 @!p0 $0x1;
	_ =	shalt  }
.Lfunc_end2:
_tile_overlayer_lowered:
.L_overlay_start_2:
0x189: {  	(tag) =	ssettag $0x2  }
0x18a: {  	s0 =	rddreg [dreg:$0x0];
	s2 =	stileid.u32  }
0x18b: {  	s1 =	rddreg [dreg:$0x1];
	p0 =	sne.s32 s2, $0x0  }
0x18c: {  	s3 =	rddreg [dreg:$0x2];
	[bflag:$0x3] =	sbarrier.arrive $0xFFFF;
	s2 =	simm.s32 @!p0 $0x1C0A  }
0x18d: {  	[timem:s3], [sflag:s2] =	dma.local @!p0 [hbm:s0], s1  }
0x18e: {  	s0 =	simm.s32 @!p0 $0xA  }
0x18f: {  	_ =	swait.ge @!p0 [sflag:s0], s1  }
0x190: {  	s1 =	ssub.s32 @!p0 $0x0, s1;
	[sflag:s0] =	ssyncset.done @!p0 $0x0  }
0x191: {  	[sflag:s0] =	ssyncadd.s32 @!p0 s1  }
0x192: {  	[bflag:$0x3] =	sbarrier.arrive $0xFFFF  }
0x193: {  	_ =	shalt  }

</sc_bundles>
